<compile_context>
chip_gen: v7x
topology: tpu7x:2x2x1
jax: 0.10.2.dev20260603
libtpu: 0.0.44.dev20260713+nightly
codegen_flags: <defaults>
</compile_context>

<pallas_src>
import functools

import jax
import jax.numpy as jnp
from jax import lax
from jax.experimental import pallas as pl
from jax.experimental.pallas import tpu as pltpu
from jax.experimental.pallas import tpu_sc as plsc

POS = 16
LANES = 16
NUM_CORES = 2
NUM_SUBCORES = 16
NW = NUM_CORES * NUM_SUBCORES
NBUF = 4


@functools.lru_cache(maxsize=None)
def _make_kernel(total, d_model):
    period = POS * d_model
    blk = period
    per_w = total // NW
    nblk = per_w // blk
    assert total % NW == 0 and per_w % blk == 0 and nblk % NBUF == 0

    mesh = plsc.VectorSubcoreMesh(core_axis_name="c", subcore_axis_name="s")

    @functools.partial(
        pl.kernel,
        mesh=mesh,
        out_type=jax.ShapeDtypeStruct((total,), jnp.float32),
        scratch_types=[
            pltpu.VMEM((period,), jnp.float32),
            pltpu.VMEM((blk,), jnp.float32),
            pltpu.VMEM((blk,), jnp.float32),
            pltpu.VMEM((blk,), jnp.float32),
            pltpu.VMEM((blk,), jnp.float32),
            pltpu.SemaphoreType.DMA((NBUF,)),
            pltpu.SemaphoreType.DMA((NBUF,)),
        ],
    )
    def run(x_hbm, t_hbm, o_hbm, tab_v, b0, b1, b2, b3, in_sems, out_sems):
        bufs = (b0, b1, b2, b3)
        wid = lax.axis_index("s") * NUM_CORES + lax.axis_index("c")
        base = wid * per_w
        pltpu.sync_copy(t_hbm, tab_v)

        def in_copy(i, k):
            return pltpu.make_async_copy(
                x_hbm.at[pl.ds(base + i * blk, blk)], bufs[k], in_sems.at[k])

        def out_copy(i, k):
            return pltpu.make_async_copy(
                bufs[k], o_hbm.at[pl.ds(base + i * blk, blk)], out_sems.at[k])

        for k in range(NBUF - 1):
            in_copy(k, k).start()

        def do_slot(i, k):
            in_copy(i, k).wait()
            buf = bufs[k]

            @plsc.parallel_loop(0, blk, step=LANES, unroll=8)
            def _(p):
                buf[pl.ds(p, LANES)] = buf[pl.ds(p, LANES)] + tab_v[pl.ds(p, LANES)]

            out_copy(i, k).start()
            nxt = i + NBUF - 1
            kn = (k + NBUF - 1) % NBUF

            @pl.when(nxt < nblk)
            def _():
                @pl.when(nxt >= NBUF)
                def _():
                    out_copy(nxt - NBUF, kn).wait()
                in_copy(nxt, kn).start()

        def do_group(q, carry):
            b = q * NBUF
            for k in range(NBUF):
                do_slot(b + k, k)
            return carry

        lax.fori_loop(0, nblk // NBUF, do_group, 0)
        for k in range(NBUF):
            out_copy(nblk - NBUF + k, k).wait()

    return run


def kernel(visn_feats, table):
    b, s, d = visn_feats.shape
    total = b * s * d
    x = visn_feats.reshape(total)
    t = table.reshape(POS * d)
    out = _make_kernel(total, d)(x, t)
    return out.reshape(b, s, d)

# --- scband reference (transcript-rebuilt; emitter-appended) ---
"""Pipeline reference for scband-linear-position-embedding-3058016715068 (READ-ONLY COPY).

The authoritative reference and input builder live on the scoring server;
editing this copy changes nothing except your own understanding.
"""

import jax, jax.numpy as jnp
import numpy as np

POS_NUM = 16
D_MODEL = 1024
BATCH = 4
SEQ_LEN = 8192


def setup_inputs(seed: int = 0) -> dict:
    key = jax.random.key(seed)
    k1, k2 = jax.random.split(key)
    visn_feats = jax.random.normal(k1, (BATCH, SEQ_LEN, D_MODEL), dtype=jnp.float32)
    # learned parameter: nn.Embedding(pos_num=16, d_model) weight table
    table = jax.random.normal(k2, (POS_NUM, D_MODEL), dtype=jnp.float32) * 0.02
    return {"visn_feats": visn_feats, "table": table}


def reference(visn_feats, table):
    hidden_size = table.shape[1]
    width = 16
    curr_img_len = visn_feats.shape[1] // width
    # embedding lookup: all_position_embedding(arange(16))
    all_ids = jnp.arange(width, dtype=jnp.int32)
    all_embedding = jnp.take(table, all_ids, axis=0)[:, None, :]  # [16, 1, d]
    position_embedding = all_embedding.reshape(1, -1, hidden_size)  # [1, 16, d]
    # torch.cat([pe] * curr_img_len, dim=1) -> [1, S, d]
    position_embedding = jnp.concatenate([position_embedding] * curr_img_len, axis=1)
    # visn_feats += position_embedding (broadcast over batch)
    out = visn_feats + position_embedding
    return out

if __name__ == "__main__":
    import jax
    _d = setup_inputs()
    print(jax.jit(kernel)(*tuple(_d.values())))

</pallas_src>

<mosaic_0001>
#map = affine_map<(d0, d1) -> (0)>
module attributes {stable_mosaic.version = 14 : i64} {
  func.func @run(%arg0: i32, %arg1: i32, %arg2: memref<33554432xf32, #tpu.memory_space<hbm>>, %arg3: memref<16384xf32, #tpu.memory_space<hbm>>, %arg4: memref<33554432xf32, #tpu.memory_space<hbm>>, %arg5: memref<16384xf32, #tpu.memory_space<vmem>>, %arg6: memref<16384xf32, #tpu.memory_space<vmem>>, %arg7: memref<16384xf32, #tpu.memory_space<vmem>>, %arg8: memref<16384xf32, #tpu.memory_space<vmem>>, %arg9: memref<16384xf32, #tpu.memory_space<vmem>>, %arg10: memref<4x!tpu.dma_semaphore, #tpu.memory_space<semaphore_mem>>, %arg11: memref<4x!tpu.dma_semaphore, #tpu.memory_space<semaphore_mem>>) attributes {dimension_semantics = [#tpu.dimension_semantics<core_parallel>, #tpu.dimension_semantics<subcore_parallel>], iteration_bounds = array<i64: 2, 16>, scalar_prefetch = 0 : i64, scratch_operands = 7 : i64, tpu.core_type = #tpu.core_type<sc_vector_subcore>, window_params = [{transform_indices = #map}, {transform_indices = #map}, {transform_indices = #map}]} {
    %mul3A = arith.constant 2 : i32
    %mul3A_0 = arith.muli %arg1, %mul3A : i32
    %add3A = arith.addi %mul3A_0, %arg0 : i32
    %mul3A_1 = arith.constant 1048576 : i32
    %mul3A_2 = arith.muli %add3A, %mul3A_1 : i32
    "tpu.region"() ({
      %run_scoped3A = tpu.sem_alloc : memref<!tpu.dma_semaphore, #tpu.memory_space<semaphore_mem>>
      tpu.enqueue_dma source(%arg3 : memref<16384xf32, #tpu.memory_space<hbm>>) target(%arg5 : memref<16384xf32, #tpu.memory_space<vmem>>) target_semaphore(%run_scoped3A : memref<!tpu.dma_semaphore, #tpu.memory_space<semaphore_mem>>)
      tpu.wait_dma2 semaphore(%run_scoped3A : memref<!tpu.dma_semaphore, #tpu.memory_space<semaphore_mem>>) src(%arg3 : memref<16384xf32, #tpu.memory_space<hbm>>) dst(%arg5 : memref<16384xf32, #tpu.memory_space<vmem>>)
      tpu.yield
    }) : () -> ()
    %add3A_3 = arith.constant 0 : i32
    %add3A_4 = arith.addi %mul3A_2, %add3A_3 : i32
    %dma_start3A = arith.constant 0 : i32
    %dma_start3A_5 = tpu.memref_slice %arg2[%add3A_4] : memref<33554432xf32, #tpu.memory_space<hbm>> -> memref<16384xf32, #tpu.memory_space<hbm>>
    %dma_start3A_6 = tpu.memref_slice %arg10[%dma_start3A] : memref<4x!tpu.dma_semaphore, #tpu.memory_space<semaphore_mem>> -> memref<1x!tpu.dma_semaphore, #tpu.memory_space<semaphore_mem>>
    %dma_start3A_7 = tpu.memref_squeeze %dma_start3A_6 : memref<1x!tpu.dma_semaphore, #tpu.memory_space<semaphore_mem>> -> memref<!tpu.dma_semaphore, #tpu.memory_space<semaphore_mem>>
    %dma_start3A_8 = tpu.memref_slice %arg2[%add3A_4] : memref<33554432xf32, #tpu.memory_space<hbm>> -> memref<16384xf32, #tpu.memory_space<hbm>>
    tpu.enqueue_dma source(%dma_start3A_8 : memref<16384xf32, #tpu.memory_space<hbm>>) target(%arg6 : memref<16384xf32, #tpu.memory_space<vmem>>) target_semaphore(%dma_start3A_7 : memref<!tpu.dma_semaphore, #tpu.memory_space<semaphore_mem>>)
    %add3A_9 = arith.constant 16384 : i32
    %add3A_10 = arith.addi %mul3A_2, %add3A_9 : i32
    %dma_start3A_11 = arith.constant 1 : i32
    %dma_start3A_12 = tpu.memref_slice %arg2[%add3A_10] : memref<33554432xf32, #tpu.memory_space<hbm>> -> memref<16384xf32, #tpu.memory_space<hbm>>
    %dma_start3A_13 = tpu.memref_slice %arg10[%dma_start3A_11] : memref<4x!tpu.dma_semaphore, #tpu.memory_space<semaphore_mem>> -> memref<1x!tpu.dma_semaphore, #tpu.memory_space<semaphore_mem>>
    %dma_start3A_14 = tpu.memref_squeeze %dma_start3A_13 : memref<1x!tpu.dma_semaphore, #tpu.memory_space<semaphore_mem>> -> memref<!tpu.dma_semaphore, #tpu.memory_space<semaphore_mem>>
    %dma_start3A_15 = tpu.memref_slice %arg2[%add3A_10] : memref<33554432xf32, #tpu.memory_space<hbm>> -> memref<16384xf32, #tpu.memory_space<hbm>>
    tpu.enqueue_dma source(%dma_start3A_15 : memref<16384xf32, #tpu.memory_space<hbm>>) target(%arg7 : memref<16384xf32, #tpu.memory_space<vmem>>) target_semaphore(%dma_start3A_14 : memref<!tpu.dma_semaphore, #tpu.memory_space<semaphore_mem>>)
    %add3A_16 = arith.constant 32768 : i32
    %add3A_17 = arith.addi %mul3A_2, %add3A_16 : i32
    %dma_start3A_18 = arith.constant 2 : i32
    %dma_start3A_19 = tpu.memref_slice %arg2[%add3A_17] : memref<33554432xf32, #tpu.memory_space<hbm>> -> memref<16384xf32, #tpu.memory_space<hbm>>
    %dma_start3A_20 = tpu.memref_slice %arg10[%dma_start3A_18] : memref<4x!tpu.dma_semaphore, #tpu.memory_space<semaphore_mem>> -> memref<1x!tpu.dma_semaphore, #tpu.memory_space<semaphore_mem>>
    %dma_start3A_21 = tpu.memref_squeeze %dma_start3A_20 : memref<1x!tpu.dma_semaphore, #tpu.memory_space<semaphore_mem>> -> memref<!tpu.dma_semaphore, #tpu.memory_space<semaphore_mem>>
    %dma_start3A_22 = tpu.memref_slice %arg2[%add3A_17] : memref<33554432xf32, #tpu.memory_space<hbm>> -> memref<16384xf32, #tpu.memory_space<hbm>>
    tpu.enqueue_dma source(%dma_start3A_22 : memref<16384xf32, #tpu.memory_space<hbm>>) target(%arg8 : memref<16384xf32, #tpu.memory_space<vmem>>) target_semaphore(%dma_start3A_21 : memref<!tpu.dma_semaphore, #tpu.memory_space<semaphore_mem>>)
    %scan3A = arith.constant 0 : i32
    %scan3A_23 = arith.constant 0 : i32
    %scan3A_24 = arith.constant 16 : i32
    %scan3A_25 = arith.addi %scan3A_23, %scan3A_24 : i32
    %scan3A_26 = arith.constant 1 : i32
    scf.for %scan3A_55 = %scan3A_23 to %scan3A_25 step %scan3A_26  : i32 {
      %mul3A_56 = arith.constant 4 : i32
      %mul3A_57 = arith.muli %scan3A_55, %mul3A_56 : i32
      %add3A_58 = arith.constant 0 : i32
      %add3A_59 = arith.addi %mul3A_57, %add3A_58 : i32
      %mul3A_60 = arith.constant 16384 : i32
      %mul3A_61 = arith.muli %add3A_59, %mul3A_60 : i32
      %add3A_62 = arith.addi %mul3A_2, %mul3A_61 : i32
      %dma_wait3A_63 = arith.constant 0 : i32
      %dma_wait3A_64 = tpu.memref_slice %arg2[%add3A_62] : memref<33554432xf32, #tpu.memory_space<hbm>> -> memref<16384xf32, #tpu.memory_space<hbm>>
      %dma_wait3A_65 = tpu.memref_slice %arg10[%dma_wait3A_63] : memref<4x!tpu.dma_semaphore, #tpu.memory_space<semaphore_mem>> -> memref<1x!tpu.dma_semaphore, #tpu.memory_space<semaphore_mem>>
      %dma_wait3A_66 = tpu.memref_squeeze %dma_wait3A_65 : memref<1x!tpu.dma_semaphore, #tpu.memory_space<semaphore_mem>> -> memref<!tpu.dma_semaphore, #tpu.memory_space<semaphore_mem>>
      %dma_wait3A_67 = tpu.memref_slice %arg2[%add3A_62] : memref<33554432xf32, #tpu.memory_space<hbm>> -> memref<16384xf32, #tpu.memory_space<hbm>>
      tpu.wait_dma2 semaphore(%dma_wait3A_66 : memref<!tpu.dma_semaphore, #tpu.memory_space<semaphore_mem>>) src(%dma_wait3A_67 : memref<16384xf32, #tpu.memory_space<hbm>>) dst(%arg6 : memref<16384xf32, #tpu.memory_space<vmem>>)
      %parallel_loop3A = arith.constant 0 : i32
      %parallel_loop3A_68 = arith.constant 16384 : i32
      %parallel_loop3A_69 = arith.constant 16 : i32
      scf.for %parallel_loop3A_173 = %parallel_loop3A to %parallel_loop3A_68 step %parallel_loop3A_69  : i32 {
        %parallel_loop3A_174 = arith.index_cast %parallel_loop3A_173 : i32 to index
        %parallel_loop3A_175 = tpu.vector_load %arg6[%parallel_loop3A_174] {strides = array<i32>} : memref<16384xf32, #tpu.memory_space<vmem>>, vector<16xf32>,
        %parallel_loop3A_176 = vector.shape_cast %parallel_loop3A_175 : vector<16xf32> to vector<16xf32>
        %parallel_loop3A_177 = arith.index_cast %parallel_loop3A_173 : i32 to index
        %parallel_loop3A_178 = tpu.vector_load %arg5[%parallel_loop3A_177] {strides = array<i32>} : memref<16384xf32, #tpu.memory_space<vmem>>, vector<16xf32>,
        %parallel_loop3A_179 = vector.shape_cast %parallel_loop3A_178 : vector<16xf32> to vector<16xf32>
        %parallel_loop3A_180 = arith.addf %parallel_loop3A_176, %parallel_loop3A_179 : vector<16xf32>
        %parallel_loop3A_181 = arith.index_cast %parallel_loop3A_173 : i32 to index
        %parallel_loop3A_182 = tpu.vector_load %arg6[%parallel_loop3A_181] {strides = array<i32>} : memref<16384xf32, #tpu.memory_space<vmem>>, vector<16xf32>,
        %parallel_loop3A_183 = vector.shape_cast %parallel_loop3A_182 : vector<16xf32> to vector<16xf32>
        %parallel_loop3A_184 = vector.shape_cast %parallel_loop3A_180 : vector<16xf32> to vector<16xf32>
        tpu.vector_store %arg6[%parallel_loop3A_181], %parallel_loop3A_184 {strides = array<i32>} : memref<16384xf32, #tpu.memory_space<vmem>>, vector<16xf32>,
      } {sc.loop_unroll_factor = 8 : i64, sc.parallel_access}
      %mul3A_70 = arith.constant 16384 : i32
      %mul3A_71 = arith.muli %add3A_59, %mul3A_70 : i32
      %add3A_72 = arith.addi %mul3A_2, %mul3A_71 : i32
      %dma_start3A_73 = arith.constant 0 : i32
      %dma_start3A_74 = tpu.memref_slice %arg4[%add3A_72] : memref<33554432xf32, #tpu.memory_space<hbm>> -> memref<16384xf32, #tpu.memory_space<hbm>>
      %dma_start3A_75 = tpu.memref_slice %arg11[%dma_start3A_73] : memref<4x!tpu.dma_semaphore, #tpu.memory_space<semaphore_mem>> -> memref<1x!tpu.dma_semaphore, #tpu.memory_space<semaphore_mem>>
      %dma_start3A_76 = tpu.memref_squeeze %dma_start3A_75 : memref<1x!tpu.dma_semaphore, #tpu.memory_space<semaphore_mem>> -> memref<!tpu.dma_semaphore, #tpu.memory_space<semaphore_mem>>
      %dma_start3A_77 = tpu.memref_slice %arg4[%add3A_72] : memref<33554432xf32, #tpu.memory_space<hbm>> -> memref<16384xf32, #tpu.memory_space<hbm>>
      tpu.enqueue_dma source(%arg6 : memref<16384xf32, #tpu.memory_space<vmem>>) target(%dma_start3A_77 : memref<16384xf32, #tpu.memory_space<hbm>>) target_semaphore(%dma_start3A_76 : memref<!tpu.dma_semaphore, #tpu.memory_space<semaphore_mem>>)
      %add3A_78 = arith.constant 4 : i32
      %add3A_79 = arith.addi %add3A_59, %add3A_78 : i32
      %sub3A = arith.constant 1 : i32
      %sub3A_80 = arith.subi %add3A_79, %sub3A : i32
      %lt3A = arith.constant 64 : i32
      %lt3A_81 = arith.cmpi slt, %sub3A_80, %lt3A : i32
      %convert_element_type3A = arith.extui %lt3A_81 : i1 to i32
      %cond3A = arith.constant 0 : i32
      %cond3A_82 = arith.cmpi ne, %convert_element_type3A, %cond3A : i32
      scf.if %cond3A_82 {
        %ge3A = arith.constant 4 : i32
        %ge3A_173 = arith.cmpi sge, %sub3A_80, %ge3A : i32
        %convert_element_type3A_174 = arith.extui %ge3A_173 : i1 to i32
        %cond3A_175 = arith.constant 0 : i32
        %cond3A_176 = arith.cmpi ne, %convert_element_type3A_174, %cond3A_175 : i32
        scf.if %cond3A_176 {
          %sub3A_185 = arith.constant 4 : i32
          %sub3A_186 = arith.subi %sub3A_80, %sub3A_185 : i32
          %mul3A_187 = arith.constant 16384 : i32
          %mul3A_188 = arith.muli %sub3A_186, %mul3A_187 : i32
          %add3A_189 = arith.addi %mul3A_2, %mul3A_188 : i32
          %dma_wait3A_190 = arith.constant 3 : i32
          %dma_wait3A_191 = tpu.memref_slice %arg4[%add3A_189] : memref<33554432xf32, #tpu.memory_space<hbm>> -> memref<16384xf32, #tpu.memory_space<hbm>>
          %dma_wait3A_192 = tpu.memref_slice %arg11[%dma_wait3A_190] : memref<4x!tpu.dma_semaphore, #tpu.memory_space<semaphore_mem>> -> memref<1x!tpu.dma_semaphore, #tpu.memory_space<semaphore_mem>>
          %dma_wait3A_193 = tpu.memref_squeeze %dma_wait3A_192 : memref<1x!tpu.dma_semaphore, #tpu.memory_space<semaphore_mem>> -> memref<!tpu.dma_semaphore, #tpu.memory_space<semaphore_mem>>
          %dma_wait3A_194 = tpu.memref_slice %arg4[%add3A_189] : memref<33554432xf32, #tpu.memory_space<hbm>> -> memref<16384xf32, #tpu.memory_space<hbm>>
          tpu.wait_dma2 semaphore(%dma_wait3A_193 : memref<!tpu.dma_semaphore, #tpu.memory_space<semaphore_mem>>) src(%arg9 : memref<16384xf32, #tpu.memory_space<vmem>>) dst(%dma_wait3A_194 : memref<16384xf32, #tpu.memory_space<hbm>>)
        } else {
        }
        %mul3A_177 = arith.constant 16384 : i32
        %mul3A_178 = arith.muli %sub3A_80, %mul3A_177 : i32
        %add3A_179 = arith.addi %mul3A_2, %mul3A_178 : i32
        %dma_start3A_180 = arith.constant 3 : i32
        %dma_start3A_181 = tpu.memref_slice %arg2[%add3A_179] : memref<33554432xf32, #tpu.memory_space<hbm>> -> memref<16384xf32, #tpu.memory_space<hbm>>
        %dma_start3A_182 = tpu.memref_slice %arg10[%dma_start3A_180] : memref<4x!tpu.dma_semaphore, #tpu.memory_space<semaphore_mem>> -> memref<1x!tpu.dma_semaphore, #tpu.memory_space<semaphore_mem>>
        %dma_start3A_183 = tpu.memref_squeeze %dma_start3A_182 : memref<1x!tpu.dma_semaphore, #tpu.memory_space<semaphore_mem>> -> memref<!tpu.dma_semaphore, #tpu.memory_space<semaphore_mem>>
        %dma_start3A_184 = tpu.memref_slice %arg2[%add3A_179] : memref<33554432xf32, #tpu.memory_space<hbm>> -> memref<16384xf32, #tpu.memory_space<hbm>>
        tpu.enqueue_dma source(%dma_start3A_184 : memref<16384xf32, #tpu.memory_space<hbm>>) target(%arg9 : memref<16384xf32, #tpu.memory_space<vmem>>) target_semaphore(%dma_start3A_183 : memref<!tpu.dma_semaphore, #tpu.memory_space<semaphore_mem>>)
      } else {
      }
      %add3A_83 = arith.constant 1 : i32
      %add3A_84 = arith.addi %mul3A_57, %add3A_83 : i32
      %mul3A_85 = arith.constant 16384 : i32
      %mul3A_86 = arith.muli %add3A_84, %mul3A_85 : i32
      %add3A_87 = arith.addi %mul3A_2, %mul3A_86 : i32
      %dma_wait3A_88 = arith.constant 1 : i32
      %dma_wait3A_89 = tpu.memref_slice %arg2[%add3A_87] : memref<33554432xf32, #tpu.memory_space<hbm>> -> memref<16384xf32, #tpu.memory_space<hbm>>
      %dma_wait3A_90 = tpu.memref_slice %arg10[%dma_wait3A_88] : memref<4x!tpu.dma_semaphore, #tpu.memory_space<semaphore_mem>> -> memref<1x!tpu.dma_semaphore, #tpu.memory_space<semaphore_mem>>
      %dma_wait3A_91 = tpu.memref_squeeze %dma_wait3A_90 : memref<1x!tpu.dma_semaphore, #tpu.memory_space<semaphore_mem>> -> memref<!tpu.dma_semaphore, #tpu.memory_space<semaphore_mem>>
      %dma_wait3A_92 = tpu.memref_slice %arg2[%add3A_87] : memref<33554432xf32, #tpu.memory_space<hbm>> -> memref<16384xf32, #tpu.memory_space<hbm>>
      tpu.wait_dma2 semaphore(%dma_wait3A_91 : memref<!tpu.dma_semaphore, #tpu.memory_space<semaphore_mem>>) src(%dma_wait3A_92 : memref<16384xf32, #tpu.memory_space<hbm>>) dst(%arg7 : memref<16384xf32, #tpu.memory_space<vmem>>)
      %parallel_loop3A_93 = arith.constant 0 : i32
      %parallel_loop3A_94 = arith.constant 16384 : i32
      %parallel_loop3A_95 = arith.constant 16 : i32
      scf.for %parallel_loop3A_173 = %parallel_loop3A_93 to %parallel_loop3A_94 step %parallel_loop3A_95  : i32 {
        %parallel_loop3A_174 = arith.index_cast %parallel_loop3A_173 : i32 to index
        %parallel_loop3A_175 = tpu.vector_load %arg7[%parallel_loop3A_174] {strides = array<i32>} : memref<16384xf32, #tpu.memory_space<vmem>>, vector<16xf32>,
        %parallel_loop3A_176 = vector.shape_cast %parallel_loop3A_175 : vector<16xf32> to vector<16xf32>
        %parallel_loop3A_177 = arith.index_cast %parallel_loop3A_173 : i32 to index
        %parallel_loop3A_178 = tpu.vector_load %arg5[%parallel_loop3A_177] {strides = array<i32>} : memref<16384xf32, #tpu.memory_space<vmem>>, vector<16xf32>,
        %parallel_loop3A_179 = vector.shape_cast %parallel_loop3A_178 : vector<16xf32> to vector<16xf32>
        %parallel_loop3A_180 = arith.addf %parallel_loop3A_176, %parallel_loop3A_179 : vector<16xf32>
        %parallel_loop3A_181 = arith.index_cast %parallel_loop3A_173 : i32 to index
        %parallel_loop3A_182 = tpu.vector_load %arg7[%parallel_loop3A_181] {strides = array<i32>} : memref<16384xf32, #tpu.memory_space<vmem>>, vector<16xf32>,
        %parallel_loop3A_183 = vector.shape_cast %parallel_loop3A_182 : vector<16xf32> to vector<16xf32>
        %parallel_loop3A_184 = vector.shape_cast %parallel_loop3A_180 : vector<16xf32> to vector<16xf32>
        tpu.vector_store %arg7[%parallel_loop3A_181], %parallel_loop3A_184 {strides = array<i32>} : memref<16384xf32, #tpu.memory_space<vmem>>, vector<16xf32>,
      } {sc.loop_unroll_factor = 8 : i64, sc.parallel_access}
      %mul3A_96 = arith.constant 16384 : i32
      %mul3A_97 = arith.muli %add3A_84, %mul3A_96 : i32
      %add3A_98 = arith.addi %mul3A_2, %mul3A_97 : i32
      %dma_start3A_99 = arith.constant 1 : i32
      %dma_start3A_100 = tpu.memref_slice %arg4[%add3A_98] : memref<33554432xf32, #tpu.memory_space<hbm>> -> memref<16384xf32, #tpu.memory_space<hbm>>
      %dma_start3A_101 = tpu.memref_slice %arg11[%dma_start3A_99] : memref<4x!tpu.dma_semaphore, #tpu.memory_space<semaphore_mem>> -> memref<1x!tpu.dma_semaphore, #tpu.memory_space<semaphore_mem>>
      %dma_start3A_102 = tpu.memref_squeeze %dma_start3A_101 : memref<1x!tpu.dma_semaphore, #tpu.memory_space<semaphore_mem>> -> memref<!tpu.dma_semaphore, #tpu.memory_space<semaphore_mem>>
      %dma_start3A_103 = tpu.memref_slice %arg4[%add3A_98] : memref<33554432xf32, #tpu.memory_space<hbm>> -> memref<16384xf32, #tpu.memory_space<hbm>>
      tpu.enqueue_dma source(%arg7 : memref<16384xf32, #tpu.memory_space<vmem>>) target(%dma_start3A_103 : memref<16384xf32, #tpu.memory_space<hbm>>) target_semaphore(%dma_start3A_102 : memref<!tpu.dma_semaphore, #tpu.memory_space<semaphore_mem>>)
      %add3A_104 = arith.constant 4 : i32
      %add3A_105 = arith.addi %add3A_84, %add3A_104 : i32
      %sub3A_106 = arith.constant 1 : i32
      %sub3A_107 = arith.subi %add3A_105, %sub3A_106 : i32
      %lt3A_108 = arith.constant 64 : i32
      %lt3A_109 = arith.cmpi slt, %sub3A_107, %lt3A_108 : i32
      %convert_element_type3A_110 = arith.extui %lt3A_109 : i1 to i32
      %cond3A_111 = arith.constant 0 : i32
      %cond3A_112 = arith.cmpi ne, %convert_element_type3A_110, %cond3A_111 : i32
      scf.if %cond3A_112 {
        %ge3A = arith.constant 4 : i32
        %ge3A_173 = arith.cmpi sge, %sub3A_107, %ge3A : i32
        %convert_element_type3A_174 = arith.extui %ge3A_173 : i1 to i32
        %cond3A_175 = arith.constant 0 : i32
        %cond3A_176 = arith.cmpi ne, %convert_element_type3A_174, %cond3A_175 : i32
        scf.if %cond3A_176 {
          %sub3A_185 = arith.constant 4 : i32
          %sub3A_186 = arith.subi %sub3A_107, %sub3A_185 : i32
          %mul3A_187 = arith.constant 16384 : i32
          %mul3A_188 = arith.muli %sub3A_186, %mul3A_187 : i32
          %add3A_189 = arith.addi %mul3A_2, %mul3A_188 : i32
          %dma_wait3A_190 = arith.constant 0 : i32
          %dma_wait3A_191 = tpu.memref_slice %arg4[%add3A_189] : memref<33554432xf32, #tpu.memory_space<hbm>> -> memref<16384xf32, #tpu.memory_space<hbm>>
          %dma_wait3A_192 = tpu.memref_slice %arg11[%dma_wait3A_190] : memref<4x!tpu.dma_semaphore, #tpu.memory_space<semaphore_mem>> -> memref<1x!tpu.dma_semaphore, #tpu.memory_space<semaphore_mem>>
          %dma_wait3A_193 = tpu.memref_squeeze %dma_wait3A_192 : memref<1x!tpu.dma_semaphore, #tpu.memory_space<semaphore_mem>> -> memref<!tpu.dma_semaphore, #tpu.memory_space<semaphore_mem>>
          %dma_wait3A_194 = tpu.memref_slice %arg4[%add3A_189] : memref<33554432xf32, #tpu.memory_space<hbm>> -> memref<16384xf32, #tpu.memory_space<hbm>>
          tpu.wait_dma2 semaphore(%dma_wait3A_193 : memref<!tpu.dma_semaphore, #tpu.memory_space<semaphore_mem>>) src(%arg6 : memref<16384xf32, #tpu.memory_space<vmem>>) dst(%dma_wait3A_194 : memref<16384xf32, #tpu.memory_space<hbm>>)
        } else {
        }
        %mul3A_177 = arith.constant 16384 : i32
        %mul3A_178 = arith.muli %sub3A_107, %mul3A_177 : i32
        %add3A_179 = arith.addi %mul3A_2, %mul3A_178 : i32
        %dma_start3A_180 = arith.constant 0 : i32
        %dma_start3A_181 = tpu.memref_slice %arg2[%add3A_179] : memref<33554432xf32, #tpu.memory_space<hbm>> -> memref<16384xf32, #tpu.memory_space<hbm>>
        %dma_start3A_182 = tpu.memref_slice %arg10[%dma_start3A_180] : memref<4x!tpu.dma_semaphore, #tpu.memory_space<semaphore_mem>> -> memref<1x!tpu.dma_semaphore, #tpu.memory_space<semaphore_mem>>
        %dma_start3A_183 = tpu.memref_squeeze %dma_start3A_182 : memref<1x!tpu.dma_semaphore, #tpu.memory_space<semaphore_mem>> -> memref<!tpu.dma_semaphore, #tpu.memory_space<semaphore_mem>>
        %dma_start3A_184 = tpu.memref_slice %arg2[%add3A_179] : memref<33554432xf32, #tpu.memory_space<hbm>> -> memref<16384xf32, #tpu.memory_space<hbm>>
        tpu.enqueue_dma source(%dma_start3A_184 : memref<16384xf32, #tpu.memory_space<hbm>>) target(%arg6 : memref<16384xf32, #tpu.memory_space<vmem>>) target_semaphore(%dma_start3A_183 : memref<!tpu.dma_semaphore, #tpu.memory_space<semaphore_mem>>)
      } else {
      }
      %add3A_113 = arith.constant 2 : i32
      %add3A_114 = arith.addi %mul3A_57, %add3A_113 : i32
      %mul3A_115 = arith.constant 16384 : i32
      %mul3A_116 = arith.muli %add3A_114, %mul3A_115 : i32
      %add3A_117 = arith.addi %mul3A_2, %mul3A_116 : i32
      %dma_wait3A_118 = arith.constant 2 : i32
      %dma_wait3A_119 = tpu.memref_slice %arg2[%add3A_117] : memref<33554432xf32, #tpu.memory_space<hbm>> -> memref<16384xf32, #tpu.memory_space<hbm>>
      %dma_wait3A_120 = tpu.memref_slice %arg10[%dma_wait3A_118] : memref<4x!tpu.dma_semaphore, #tpu.memory_space<semaphore_mem>> -> memref<1x!tpu.dma_semaphore, #tpu.memory_space<semaphore_mem>>
      %dma_wait3A_121 = tpu.memref_squeeze %dma_wait3A_120 : memref<1x!tpu.dma_semaphore, #tpu.memory_space<semaphore_mem>> -> memref<!tpu.dma_semaphore, #tpu.memory_space<semaphore_mem>>
      %dma_wait3A_122 = tpu.memref_slice %arg2[%add3A_117] : memref<33554432xf32, #tpu.memory_space<hbm>> -> memref<16384xf32, #tpu.memory_space<hbm>>
      tpu.wait_dma2 semaphore(%dma_wait3A_121 : memref<!tpu.dma_semaphore, #tpu.memory_space<semaphore_mem>>) src(%dma_wait3A_122 : memref<16384xf32, #tpu.memory_space<hbm>>) dst(%arg8 : memref<16384xf32, #tpu.memory_space<vmem>>)
      %parallel_loop3A_123 = arith.constant 0 : i32
      %parallel_loop3A_124 = arith.constant 16384 : i32
      %parallel_loop3A_125 = arith.constant 16 : i32
      scf.for %parallel_loop3A_173 = %parallel_loop3A_123 to %parallel_loop3A_124 step %parallel_loop3A_125  : i32 {
        %parallel_loop3A_174 = arith.index_cast %parallel_loop3A_173 : i32 to index
        %parallel_loop3A_175 = tpu.vector_load %arg8[%parallel_loop3A_174] {strides = array<i32>} : memref<16384xf32, #tpu.memory_space<vmem>>, vector<16xf32>,
        %parallel_loop3A_176 = vector.shape_cast %parallel_loop3A_175 : vector<16xf32> to vector<16xf32>
        %parallel_loop3A_177 = arith.index_cast %parallel_loop3A_173 : i32 to index
        %parallel_loop3A_178 = tpu.vector_load %arg5[%parallel_loop3A_177] {strides = array<i32>} : memref<16384xf32, #tpu.memory_space<vmem>>, vector<16xf32>,
        %parallel_loop3A_179 = vector.shape_cast %parallel_loop3A_178 : vector<16xf32> to vector<16xf32>
        %parallel_loop3A_180 = arith.addf %parallel_loop3A_176, %parallel_loop3A_179 : vector<16xf32>
        %parallel_loop3A_181 = arith.index_cast %parallel_loop3A_173 : i32 to index
        %parallel_loop3A_182 = tpu.vector_load %arg8[%parallel_loop3A_181] {strides = array<i32>} : memref<16384xf32, #tpu.memory_space<vmem>>, vector<16xf32>,
        %parallel_loop3A_183 = vector.shape_cast %parallel_loop3A_182 : vector<16xf32> to vector<16xf32>
        %parallel_loop3A_184 = vector.shape_cast %parallel_loop3A_180 : vector<16xf32> to vector<16xf32>
        tpu.vector_store %arg8[%parallel_loop3A_181], %parallel_loop3A_184 {strides = array<i32>} : memref<16384xf32, #tpu.memory_space<vmem>>, vector<16xf32>,
      } {sc.loop_unroll_factor = 8 : i64, sc.parallel_access}
      %mul3A_126 = arith.constant 16384 : i32
      %mul3A_127 = arith.muli %add3A_114, %mul3A_126 : i32
      %add3A_128 = arith.addi %mul3A_2, %mul3A_127 : i32
      %dma_start3A_129 = arith.constant 2 : i32
      %dma_start3A_130 = tpu.memref_slice %arg4[%add3A_128] : memref<33554432xf32, #tpu.memory_space<hbm>> -> memref<16384xf32, #tpu.memory_space<hbm>>
      %dma_start3A_131 = tpu.memref_slice %arg11[%dma_start3A_129] : memref<4x!tpu.dma_semaphore, #tpu.memory_space<semaphore_mem>> -> memref<1x!tpu.dma_semaphore, #tpu.memory_space<semaphore_mem>>
      %dma_start3A_132 = tpu.memref_squeeze %dma_start3A_131 : memref<1x!tpu.dma_semaphore, #tpu.memory_space<semaphore_mem>> -> memref<!tpu.dma_semaphore, #tpu.memory_space<semaphore_mem>>
      %dma_start3A_133 = tpu.memref_slice %arg4[%add3A_128] : memref<33554432xf32, #tpu.memory_space<hbm>> -> memref<16384xf32, #tpu.memory_space<hbm>>
      tpu.enqueue_dma source(%arg8 : memref<16384xf32, #tpu.memory_space<vmem>>) target(%dma_start3A_133 : memref<16384xf32, #tpu.memory_space<hbm>>) target_semaphore(%dma_start3A_132 : memref<!tpu.dma_semaphore, #tpu.memory_space<semaphore_mem>>)
      %add3A_134 = arith.constant 4 : i32
      %add3A_135 = arith.addi %add3A_114, %add3A_134 : i32
      %sub3A_136 = arith.constant 1 : i32
      %sub3A_137 = arith.subi %add3A_135, %sub3A_136 : i32
      %lt3A_138 = arith.constant 64 : i32
      %lt3A_139 = arith.cmpi slt, %sub3A_137, %lt3A_138 : i32
      %convert_element_type3A_140 = arith.extui %lt3A_139 : i1 to i32
      %cond3A_141 = arith.constant 0 : i32
      %cond3A_142 = arith.cmpi ne, %convert_element_type3A_140, %cond3A_141 : i32
      scf.if %cond3A_142 {
        %ge3A = arith.constant 4 : i32
        %ge3A_173 = arith.cmpi sge, %sub3A_137, %ge3A : i32
        %convert_element_type3A_174 = arith.extui %ge3A_173 : i1 to i32
        %cond3A_175 = arith.constant 0 : i32
        %cond3A_176 = arith.cmpi ne, %convert_element_type3A_174, %cond3A_175 : i32
        scf.if %cond3A_176 {
          %sub3A_185 = arith.constant 4 : i32
          %sub3A_186 = arith.subi %sub3A_137, %sub3A_185 : i32
          %mul3A_187 = arith.constant 16384 : i32
          %mul3A_188 = arith.muli %sub3A_186, %mul3A_187 : i32
          %add3A_189 = arith.addi %mul3A_2, %mul3A_188 : i32
          %dma_wait3A_190 = arith.constant 1 : i32
          %dma_wait3A_191 = tpu.memref_slice %arg4[%add3A_189] : memref<33554432xf32, #tpu.memory_space<hbm>> -> memref<16384xf32, #tpu.memory_space<hbm>>
          %dma_wait3A_192 = tpu.memref_slice %arg11[%dma_wait3A_190] : memref<4x!tpu.dma_semaphore, #tpu.memory_space<semaphore_mem>> -> memref<1x!tpu.dma_semaphore, #tpu.memory_space<semaphore_mem>>
          %dma_wait3A_193 = tpu.memref_squeeze %dma_wait3A_192 : memref<1x!tpu.dma_semaphore, #tpu.memory_space<semaphore_mem>> -> memref<!tpu.dma_semaphore, #tpu.memory_space<semaphore_mem>>
          %dma_wait3A_194 = tpu.memref_slice %arg4[%add3A_189] : memref<33554432xf32, #tpu.memory_space<hbm>> -> memref<16384xf32, #tpu.memory_space<hbm>>
          tpu.wait_dma2 semaphore(%dma_wait3A_193 : memref<!tpu.dma_semaphore, #tpu.memory_space<semaphore_mem>>) src(%arg7 : memref<16384xf32, #tpu.memory_space<vmem>>) dst(%dma_wait3A_194 : memref<16384xf32, #tpu.memory_space<hbm>>)
        } else {
        }
        %mul3A_177 = arith.constant 16384 : i32
        %mul3A_178 = arith.muli %sub3A_137, %mul3A_177 : i32
        %add3A_179 = arith.addi %mul3A_2, %mul3A_178 : i32
        %dma_start3A_180 = arith.constant 1 : i32
        %dma_start3A_181 = tpu.memref_slice %arg2[%add3A_179] : memref<33554432xf32, #tpu.memory_space<hbm>> -> memref<16384xf32, #tpu.memory_space<hbm>>
        %dma_start3A_182 = tpu.memref_slice %arg10[%dma_start3A_180] : memref<4x!tpu.dma_semaphore, #tpu.memory_space<semaphore_mem>> -> memref<1x!tpu.dma_semaphore, #tpu.memory_space<semaphore_mem>>
        %dma_start3A_183 = tpu.memref_squeeze %dma_start3A_182 : memref<1x!tpu.dma_semaphore, #tpu.memory_space<semaphore_mem>> -> memref<!tpu.dma_semaphore, #tpu.memory_space<semaphore_mem>>
        %dma_start3A_184 = tpu.memref_slice %arg2[%add3A_179] : memref<33554432xf32, #tpu.memory_space<hbm>> -> memref<16384xf32, #tpu.memory_space<hbm>>
        tpu.enqueue_dma source(%dma_start3A_184 : memref<16384xf32, #tpu.memory_space<hbm>>) target(%arg7 : memref<16384xf32, #tpu.memory_space<vmem>>) target_semaphore(%dma_start3A_183 : memref<!tpu.dma_semaphore, #tpu.memory_space<semaphore_mem>>)
      } else {
      }
      %add3A_143 = arith.constant 3 : i32
      %add3A_144 = arith.addi %mul3A_57, %add3A_143 : i32
      %mul3A_145 = arith.constant 16384 : i32
      %mul3A_146 = arith.muli %add3A_144, %mul3A_145 : i32
      %add3A_147 = arith.addi %mul3A_2, %mul3A_146 : i32
      %dma_wait3A_148 = arith.constant 3 : i32
      %dma_wait3A_149 = tpu.memref_slice %arg2[%add3A_147] : memref<33554432xf32, #tpu.memory_space<hbm>> -> memref<16384xf32, #tpu.memory_space<hbm>>
      %dma_wait3A_150 = tpu.memref_slice %arg10[%dma_wait3A_148] : memref<4x!tpu.dma_semaphore, #tpu.memory_space<semaphore_mem>> -> memref<1x!tpu.dma_semaphore, #tpu.memory_space<semaphore_mem>>
      %dma_wait3A_151 = tpu.memref_squeeze %dma_wait3A_150 : memref<1x!tpu.dma_semaphore, #tpu.memory_space<semaphore_mem>> -> memref<!tpu.dma_semaphore, #tpu.memory_space<semaphore_mem>>
      %dma_wait3A_152 = tpu.memref_slice %arg2[%add3A_147] : memref<33554432xf32, #tpu.memory_space<hbm>> -> memref<16384xf32, #tpu.memory_space<hbm>>
      tpu.wait_dma2 semaphore(%dma_wait3A_151 : memref<!tpu.dma_semaphore, #tpu.memory_space<semaphore_mem>>) src(%dma_wait3A_152 : memref<16384xf32, #tpu.memory_space<hbm>>) dst(%arg9 : memref<16384xf32, #tpu.memory_space<vmem>>)
      %parallel_loop3A_153 = arith.constant 0 : i32
      %parallel_loop3A_154 = arith.constant 16384 : i32
      %parallel_loop3A_155 = arith.constant 16 : i32
      scf.for %parallel_loop3A_173 = %parallel_loop3A_153 to %parallel_loop3A_154 step %parallel_loop3A_155  : i32 {
        %parallel_loop3A_174 = arith.index_cast %parallel_loop3A_173 : i32 to index
        %parallel_loop3A_175 = tpu.vector_load %arg9[%parallel_loop3A_174] {strides = array<i32>} : memref<16384xf32, #tpu.memory_space<vmem>>, vector<16xf32>,
        %parallel_loop3A_176 = vector.shape_cast %parallel_loop3A_175 : vector<16xf32> to vector<16xf32>
        %parallel_loop3A_177 = arith.index_cast %parallel_loop3A_173 : i32 to index
        %parallel_loop3A_178 = tpu.vector_load %arg5[%parallel_loop3A_177] {strides = array<i32>} : memref<16384xf32, #tpu.memory_space<vmem>>, vector<16xf32>,
        %parallel_loop3A_179 = vector.shape_cast %parallel_loop3A_178 : vector<16xf32> to vector<16xf32>
        %parallel_loop3A_180 = arith.addf %parallel_loop3A_176, %parallel_loop3A_179 : vector<16xf32>
        %parallel_loop3A_181 = arith.index_cast %parallel_loop3A_173 : i32 to index
        %parallel_loop3A_182 = tpu.vector_load %arg9[%parallel_loop3A_181] {strides = array<i32>} : memref<16384xf32, #tpu.memory_space<vmem>>, vector<16xf32>,
        %parallel_loop3A_183 = vector.shape_cast %parallel_loop3A_182 : vector<16xf32> to vector<16xf32>
        %parallel_loop3A_184 = vector.shape_cast %parallel_loop3A_180 : vector<16xf32> to vector<16xf32>
        tpu.vector_store %arg9[%parallel_loop3A_181], %parallel_loop3A_184 {strides = array<i32>} : memref<16384xf32, #tpu.memory_space<vmem>>, vector<16xf32>,
      } {sc.loop_unroll_factor = 8 : i64, sc.parallel_access}
      %mul3A_156 = arith.constant 16384 : i32
      %mul3A_157 = arith.muli %add3A_144, %mul3A_156 : i32
      %add3A_158 = arith.addi %mul3A_2, %mul3A_157 : i32
      %dma_start3A_159 = arith.constant 3 : i32
      %dma_start3A_160 = tpu.memref_slice %arg4[%add3A_158] : memref<33554432xf32, #tpu.memory_space<hbm>> -> memref<16384xf32, #tpu.memory_space<hbm>>
      %dma_start3A_161 = tpu.memref_slice %arg11[%dma_start3A_159] : memref<4x!tpu.dma_semaphore, #tpu.memory_space<semaphore_mem>> -> memref<1x!tpu.dma_semaphore, #tpu.memory_space<semaphore_mem>>
      %dma_start3A_162 = tpu.memref_squeeze %dma_start3A_161 : memref<1x!tpu.dma_semaphore, #tpu.memory_space<semaphore_mem>> -> memref<!tpu.dma_semaphore, #tpu.memory_space<semaphore_mem>>
      %dma_start3A_163 = tpu.memref_slice %arg4[%add3A_158] : memref<33554432xf32, #tpu.memory_space<hbm>> -> memref<16384xf32, #tpu.memory_space<hbm>>
      tpu.enqueue_dma source(%arg9 : memref<16384xf32, #tpu.memory_space<vmem>>) target(%dma_start3A_163 : memref<16384xf32, #tpu.memory_space<hbm>>) target_semaphore(%dma_start3A_162 : memref<!tpu.dma_semaphore, #tpu.memory_space<semaphore_mem>>)
      %add3A_164 = arith.constant 4 : i32
      %add3A_165 = arith.addi %add3A_144, %add3A_164 : i32
      %sub3A_166 = arith.constant 1 : i32
      %sub3A_167 = arith.subi %add3A_165, %sub3A_166 : i32
      %lt3A_168 = arith.constant 64 : i32
      %lt3A_169 = arith.cmpi slt, %sub3A_167, %lt3A_168 : i32
      %convert_element_type3A_170 = arith.extui %lt3A_169 : i1 to i32
      %cond3A_171 = arith.constant 0 : i32
      %cond3A_172 = arith.cmpi ne, %convert_element_type3A_170, %cond3A_171 : i32
      scf.if %cond3A_172 {
        %ge3A = arith.constant 4 : i32
        %ge3A_173 = arith.cmpi sge, %sub3A_167, %ge3A : i32
        %convert_element_type3A_174 = arith.extui %ge3A_173 : i1 to i32
        %cond3A_175 = arith.constant 0 : i32
        %cond3A_176 = arith.cmpi ne, %convert_element_type3A_174, %cond3A_175 : i32
        scf.if %cond3A_176 {
          %sub3A_185 = arith.constant 4 : i32
          %sub3A_186 = arith.subi %sub3A_167, %sub3A_185 : i32
          %mul3A_187 = arith.constant 16384 : i32
          %mul3A_188 = arith.muli %sub3A_186, %mul3A_187 : i32
          %add3A_189 = arith.addi %mul3A_2, %mul3A_188 : i32
          %dma_wait3A_190 = arith.constant 2 : i32
          %dma_wait3A_191 = tpu.memref_slice %arg4[%add3A_189] : memref<33554432xf32, #tpu.memory_space<hbm>> -> memref<16384xf32, #tpu.memory_space<hbm>>
          %dma_wait3A_192 = tpu.memref_slice %arg11[%dma_wait3A_190] : memref<4x!tpu.dma_semaphore, #tpu.memory_space<semaphore_mem>> -> memref<1x!tpu.dma_semaphore, #tpu.memory_space<semaphore_mem>>
          %dma_wait3A_193 = tpu.memref_squeeze %dma_wait3A_192 : memref<1x!tpu.dma_semaphore, #tpu.memory_space<semaphore_mem>> -> memref<!tpu.dma_semaphore, #tpu.memory_space<semaphore_mem>>
          %dma_wait3A_194 = tpu.memref_slice %arg4[%add3A_189] : memref<33554432xf32, #tpu.memory_space<hbm>> -> memref<16384xf32, #tpu.memory_space<hbm>>
          tpu.wait_dma2 semaphore(%dma_wait3A_193 : memref<!tpu.dma_semaphore, #tpu.memory_space<semaphore_mem>>) src(%arg8 : memref<16384xf32, #tpu.memory_space<vmem>>) dst(%dma_wait3A_194 : memref<16384xf32, #tpu.memory_space<hbm>>)
        } else {
        }
        %mul3A_177 = arith.constant 16384 : i32
        %mul3A_178 = arith.muli %sub3A_167, %mul3A_177 : i32
        %add3A_179 = arith.addi %mul3A_2, %mul3A_178 : i32
        %dma_start3A_180 = arith.constant 2 : i32
        %dma_start3A_181 = tpu.memref_slice %arg2[%add3A_179] : memref<33554432xf32, #tpu.memory_space<hbm>> -> memref<16384xf32, #tpu.memory_space<hbm>>
        %dma_start3A_182 = tpu.memref_slice %arg10[%dma_start3A_180] : memref<4x!tpu.dma_semaphore, #tpu.memory_space<semaphore_mem>> -> memref<1x!tpu.dma_semaphore, #tpu.memory_space<semaphore_mem>>
        %dma_start3A_183 = tpu.memref_squeeze %dma_start3A_182 : memref<1x!tpu.dma_semaphore, #tpu.memory_space<semaphore_mem>> -> memref<!tpu.dma_semaphore, #tpu.memory_space<semaphore_mem>>
        %dma_start3A_184 = tpu.memref_slice %arg2[%add3A_179] : memref<33554432xf32, #tpu.memory_space<hbm>> -> memref<16384xf32, #tpu.memory_space<hbm>>
        tpu.enqueue_dma source(%dma_start3A_184 : memref<16384xf32, #tpu.memory_space<hbm>>) target(%arg8 : memref<16384xf32, #tpu.memory_space<vmem>>) target_semaphore(%dma_start3A_183 : memref<!tpu.dma_semaphore, #tpu.memory_space<semaphore_mem>>)
      } else {
      }
    }
    %scan3A_27 = arith.constant 16 : i32
    %add3A_28 = arith.constant 983040 : i32
    %add3A_29 = arith.addi %mul3A_2, %add3A_28 : i32
    %dma_wait3A = arith.constant 0 : i32
    %dma_wait3A_30 = tpu.memref_slice %arg4[%add3A_29] : memref<33554432xf32, #tpu.memory_space<hbm>> -> memref<16384xf32, #tpu.memory_space<hbm>>
    %dma_wait3A_31 = tpu.memref_slice %arg11[%dma_wait3A] : memref<4x!tpu.dma_semaphore, #tpu.memory_space<semaphore_mem>> -> memref<1x!tpu.dma_semaphore, #tpu.memory_space<semaphore_mem>>
    %dma_wait3A_32 = tpu.memref_squeeze %dma_wait3A_31 : memref<1x!tpu.dma_semaphore, #tpu.memory_space<semaphore_mem>> -> memref<!tpu.dma_semaphore, #tpu.memory_space<semaphore_mem>>
    %dma_wait3A_33 = tpu.memref_slice %arg4[%add3A_29] : memref<33554432xf32, #tpu.memory_space<hbm>> -> memref<16384xf32, #tpu.memory_space<hbm>>
    tpu.wait_dma2 semaphore(%dma_wait3A_32 : memref<!tpu.dma_semaphore, #tpu.memory_space<semaphore_mem>>) src(%arg6 : memref<16384xf32, #tpu.memory_space<vmem>>) dst(%dma_wait3A_33 : memref<16384xf32, #tpu.memory_space<hbm>>)
    %add3A_34 = arith.constant 999424 : i32
    %add3A_35 = arith.addi %mul3A_2, %add3A_34 : i32
    %dma_wait3A_36 = arith.constant 1 : i32
    %dma_wait3A_37 = tpu.memref_slice %arg4[%add3A_35] : memref<33554432xf32, #tpu.memory_space<hbm>> -> memref<16384xf32, #tpu.memory_space<hbm>>
    %dma_wait3A_38 = tpu.memref_slice %arg11[%dma_wait3A_36] : memref<4x!tpu.dma_semaphore, #tpu.memory_space<semaphore_mem>> -> memref<1x!tpu.dma_semaphore, #tpu.memory_space<semaphore_mem>>
    %dma_wait3A_39 = tpu.memref_squeeze %dma_wait3A_38 : memref<1x!tpu.dma_semaphore, #tpu.memory_space<semaphore_mem>> -> memref<!tpu.dma_semaphore, #tpu.memory_space<semaphore_mem>>
    %dma_wait3A_40 = tpu.memref_slice %arg4[%add3A_35] : memref<33554432xf32, #tpu.memory_space<hbm>> -> memref<16384xf32, #tpu.memory_space<hbm>>
    tpu.wait_dma2 semaphore(%dma_wait3A_39 : memref<!tpu.dma_semaphore, #tpu.memory_space<semaphore_mem>>) src(%arg7 : memref<16384xf32, #tpu.memory_space<vmem>>) dst(%dma_wait3A_40 : memref<16384xf32, #tpu.memory_space<hbm>>)
    %add3A_41 = arith.constant 1015808 : i32
    %add3A_42 = arith.addi %mul3A_2, %add3A_41 : i32
    %dma_wait3A_43 = arith.constant 2 : i32
    %dma_wait3A_44 = tpu.memref_slice %arg4[%add3A_42] : memref<33554432xf32, #tpu.memory_space<hbm>> -> memref<16384xf32, #tpu.memory_space<hbm>>
    %dma_wait3A_45 = tpu.memref_slice %arg11[%dma_wait3A_43] : memref<4x!tpu.dma_semaphore, #tpu.memory_space<semaphore_mem>> -> memref<1x!tpu.dma_semaphore, #tpu.memory_space<semaphore_mem>>
    %dma_wait3A_46 = tpu.memref_squeeze %dma_wait3A_45 : memref<1x!tpu.dma_semaphore, #tpu.memory_space<semaphore_mem>> -> memref<!tpu.dma_semaphore, #tpu.memory_space<semaphore_mem>>
    %dma_wait3A_47 = tpu.memref_slice %arg4[%add3A_42] : memref<33554432xf32, #tpu.memory_space<hbm>> -> memref<16384xf32, #tpu.memory_space<hbm>>
    tpu.wait_dma2 semaphore(%dma_wait3A_46 : memref<!tpu.dma_semaphore, #tpu.memory_space<semaphore_mem>>) src(%arg8 : memref<16384xf32, #tpu.memory_space<vmem>>) dst(%dma_wait3A_47 : memref<16384xf32, #tpu.memory_space<hbm>>)
    %add3A_48 = arith.constant 1032192 : i32
    %add3A_49 = arith.addi %mul3A_2, %add3A_48 : i32
    %dma_wait3A_50 = arith.constant 3 : i32
    %dma_wait3A_51 = tpu.memref_slice %arg4[%add3A_49] : memref<33554432xf32, #tpu.memory_space<hbm>> -> memref<16384xf32, #tpu.memory_space<hbm>>
    %dma_wait3A_52 = tpu.memref_slice %arg11[%dma_wait3A_50] : memref<4x!tpu.dma_semaphore, #tpu.memory_space<semaphore_mem>> -> memref<1x!tpu.dma_semaphore, #tpu.memory_space<semaphore_mem>>
    %dma_wait3A_53 = tpu.memref_squeeze %dma_wait3A_52 : memref<1x!tpu.dma_semaphore, #tpu.memory_space<semaphore_mem>> -> memref<!tpu.dma_semaphore, #tpu.memory_space<semaphore_mem>>
    %dma_wait3A_54 = tpu.memref_slice %arg4[%add3A_49] : memref<33554432xf32, #tpu.memory_space<hbm>> -> memref<16384xf32, #tpu.memory_space<hbm>>
    tpu.wait_dma2 semaphore(%dma_wait3A_53 : memref<!tpu.dma_semaphore, #tpu.memory_space<semaphore_mem>>) src(%arg9 : memref<16384xf32, #tpu.memory_space<vmem>>) dst(%dma_wait3A_54 : memref<16384xf32, #tpu.memory_space<hbm>>)
    return
  }
}

</mosaic_0001>

<sc_bundles>
// kernel: kernel.3.cloned.1.call-start
scs
__scs_entry_jumppad:
0x0: {  	(pc) =	sbr.rel $0x88, $3  }
0x1: {  	(tag) =	ssettag $0x0;
	lr =	simm.s32 $0x1  }
0x2: {  	[smem:$0x3F9F] =	sst lr;
	_ =	strace $0xD0000000  }
0x3: {  	_ = 	snop  }
0x4: {  	_ = 	snop  }
0x5: {  	_ = 	snop  }
0x6: {  	_ = 	snop  }
0x7: {  	_ = 	snop  }
__scs_overlays_trampoline_lowered:
0x8: {  	[smem:$0x3FAE] =	sst s0  }
0x9: {  	[smem:$0x3FAF] =	sst s1  }
0xa: {  	[smem:$0x3FB0] =	sst s2  }
0xb: {  	[smem:$0x3FB1] =	sst s3  }
0xc: {  	[smem:$0x3FB2] =	sst s4  }
0xd: {  	[smem:$0x3FB3] =	sst s5  }
0xe: {  	[smem:$0x3FB4] =	sst s6  }
0xf: {  	[smem:$0x3FB5] =	sst s7  }
0x10: {  	[smem:$0x3FB6] =	sst s8  }
0x11: {  	[smem:$0x3FB7] =	sst s9;
	s0 =	simm.s32 @!p0 $0x0  }
0x12: {  	s1 =	sld [smem:$0x3F9D];
	s0 =	simm.s32 @p0 $0x1  }
0x13: {  	[smem:$0x3FB8] =	sst s0;
	s0 =	simm.s32 @!p1 $0x0  }
0x14: {  	s2 =	sld [smem:$0x3F9C];
	s0 =	simm.s32 @p1 $0x1  }
0x15: {  	[smem:$0x3FB9] =	sst s0;
	s0 =	simm.s32 @!p2 $0x0  }
0x16: {  	s3 =	sld [smem:$0x3FDB];
	s0 =	simm.s32 @p2 $0x1  }
0x17: {  	s4 =	simm.s32 $0x1BF5;
	[smem:$0x3FBB] =	sst s0  }
0x18: {  	s0 =	sld [smem:$0x3F9E];
	_ =	swait.ge [sflag:s4], $0x0  }
0x19: {  	s7 =	sld [smem:$0x3F9F]  }
0x1a: {  	s8 =	sadd.s32 $0xFFFFE003, lr  }
0x1b: {  	s9 =	sadd.s32 $0xFFFFFEF7, lr;
	s5 =	simm.s32 $0xFFFFFFFF;
	p2 =	slt.u32 s8, $0xFFFFF086  }
0x1c: {  	p1 =	slt.u32 s9, $0xF7A;
	s5 =	simm.s32 @!p2 $0x0  }
0x1d: {  	s5 =	simm.s32 @p1 $0x1;
	p0 =	seq.s32 s7, s2  }
0x1e: {  	s7 =	smul.u32 @!p0 $0xF7A, s2;
	p2 =	seq.s32 @!p0 s5, $0x0  }
0x1f: {  	s9 =	smul.u32 $0xF7A, s1;
	s8 =	simm.s32 @!p0 $0x1BF5;
	p2 =	por !p2, p0  }
0x20: {  	[sflag:s8] =	ssyncset.s32 @!p0 $0xFFFFF086;
	s6 =	sadd.s32 @!p0 s3, s7;
	s7 =	simm.s32 @!p0 $0x108  }
0x21: {  	s3 =	sadd.s32 s3, s9;
	s6 =	sadd.s32 @!p0 $0x88, s6;
	s7 =	simm.s32 @p2 $0x1082  }
0x22: {  	[simem:s7], [sflag:s8] =	dma.local @!p0 [hbm:s6], $0xF7A  }
0x23: {  	s9 =	sor.u32 $0xD0000000, s2;
	s6 =	simm.s32 $0x108;
	_ =	swait.ge @!p0 [sflag:s8], $0x0  }
0x24: {  	s3 =	sadd.s32 $0x88, s3;
	s6 =	simm.s32 @!p1 $0x1082;
	[sflag:s4] =	ssyncset.s32 $0xFFFFF086  }
0x25: {  	[simem:s6], [sflag:s4] =	dma.local [hbm:s3], $0xF7A  }
0x26: {  	[smem:$0x3F9F] =	sst s1;
	(tag) =	ssettag s2;
	_ =	strace s9  }
0x27: {  	s1 =	sld [smem:$0x3FAF]  }
0x28: {  	s2 =	sld [smem:$0x3FB0]  }
0x29: {  	s4 =	sld [smem:$0x3FB2]  }
0x2a: {  	p0 =	seq.s32 s5, $0x0;
	s5 =	sld [smem:$0x3FB3]  }
0x2b: {  	s6 =	sld [smem:$0x3FB4]  }
0x2c: {  	s7 =	sld [smem:$0x3FB5]  }
0x2d: {  	s3 =	simm.s32 $0x108;
	s8 =	sld [smem:$0x3FB6]  }
0x2e: {  	s3 =	simm.s32 @!p0 $0x1082;
	s9 =	sld [smem:$0x3FB7]  }
0x2f: {  	lr =	sadd.s32 s0, s3;
	s0 =	sld [smem:$0x3FAE]  }
0x30: {  	s3 =	sld [smem:$0x3FB1]  }
0x31: {  	[smem:$0x3FBA] =	sst s10  }
0x32: {  	s10 =	sld [smem:$0x3FB8];
	_ =	sdelay $0x3  }
0x33: {  	p0 =	seq.s32 s10, $0x1;
	s10 =	sld [smem:$0x3FBA];
	_ =	sdelay $0x3  }
0x34: {  	[smem:$0x3FBA] =	sst s10  }
0x35: {  	s10 =	sld [smem:$0x3FB9];
	_ =	sdelay $0x3  }
0x36: {  	p1 =	seq.s32 s10, $0x1;
	s10 =	sld [smem:$0x3FBA];
	_ =	sdelay $0x3  }
0x37: {  	[smem:$0x3FBA] =	sst s10  }
0x38: {  	s10 =	sld [smem:$0x3FBB]  }
0x39: {  	_ = 	snop;
	(pc) =	sbr.ind lr, $3  }
0x3a: {  	_ = 	snop  }
0x3b: {  	_ = 	snop  }
0x3c: {  	p2 =	seq.s32 s10, $0x1;
	s10 =	sld [smem:$0x3FBA]  }
0x3d: {  	_ =	shalt  }
0x3e: {  	_ =	shalt  }
0x3f: {  	_ =	shalt  }
0x40: {  	_ =	shalt  }
0x41: {  	_ =	shalt  }
0x42: {  	_ =	shalt  }
0x43: {  	_ =	shalt  }
0x44: {  	_ =	shalt  }
0x45: {  	_ =	shalt  }
0x46: {  	_ =	shalt  }
0x47: {  	_ =	shalt  }
0x48: {  	_ =	shalt  }
0x49: {  	_ =	shalt  }
0x4a: {  	_ =	shalt  }
0x4b: {  	_ =	shalt  }
0x4c: {  	_ =	shalt  }
0x4d: {  	_ =	shalt  }
0x4e: {  	_ =	shalt  }
0x4f: {  	_ =	shalt  }
0x50: {  	_ =	shalt  }
0x51: {  	_ =	shalt  }
0x52: {  	_ =	shalt  }
0x53: {  	_ =	shalt  }
0x54: {  	_ =	shalt  }
0x55: {  	_ =	shalt  }
0x56: {  	_ =	shalt  }
0x57: {  	_ =	shalt  }
0x58: {  	_ =	shalt  }
0x59: {  	_ =	shalt  }
0x5a: {  	_ =	shalt  }
0x5b: {  	_ =	shalt  }
0x5c: {  	_ =	shalt  }
0x5d: {  	_ =	shalt  }
0x5e: {  	_ =	shalt  }
0x5f: {  	_ =	shalt  }
0x60: {  	_ =	shalt  }
0x61: {  	_ =	shalt  }
0x62: {  	_ =	shalt  }
0x63: {  	_ =	shalt  }
0x64: {  	_ =	shalt  }
0x65: {  	_ =	shalt  }
0x66: {  	_ =	shalt  }
0x67: {  	_ =	shalt  }
0x68: {  	_ =	shalt  }
0x69: {  	_ =	shalt  }
0x6a: {  	_ =	shalt  }
0x6b: {  	_ =	shalt  }
0x6c: {  	_ =	shalt  }
0x6d: {  	_ =	shalt  }
0x6e: {  	_ =	shalt  }
0x6f: {  	_ =	shalt  }
0x70: {  	_ =	shalt  }
0x71: {  	_ =	shalt  }
0x72: {  	_ =	shalt  }
0x73: {  	_ =	shalt  }
0x74: {  	_ =	shalt  }
0x75: {  	_ =	shalt  }
0x76: {  	_ =	shalt  }
0x77: {  	_ =	shalt  }
0x78: {  	_ =	shalt  }
0x79: {  	_ =	shalt  }
0x7a: {  	_ =	shalt  }
0x7b: {  	_ =	shalt  }
0x7c: {  	_ =	shalt  }
0x7d: {  	_ =	shalt  }
0x7e: {  	_ =	shalt  }
0x7f: {  	_ =	shalt  }
0x80: {  	_ =	shalt  }
0x81: {  	_ =	shalt  }
0x82: {  	_ =	shalt  }
0x83: {  	_ =	shalt  }
0x84: {  	_ =	shalt  }
0x85: {  	_ =	shalt  }
0x86: {  	_ =	shalt  }
0x87: {  	_ =	shalt  }
.Lfunc_end0:
.L_simem_size_0:
called_computation.1_lowered:
.L_overlay_start_0:
0x88: {  	s2 =	sld [smem:$0x3FD9]  }
0x89: {  	s3 =	sld [smem:$0x3FFE];
	_ =	sdelay $0x1  }
0x8a: {  	s1 =	srdreg.scid  }
0x8b: {  	s0 =	sand.u32 $0x1, s1  }
0x8c: {  	s17 =	sshll.u32 s0, $0xA;
	s2 =	sadd.s32 s3, s2  }
0x8d: {  	s2 =	sadd.s32 s2, s17  }
0x8e: {  	[smem:$0x3FC6] =	sst s2  }
0x8f: {  	_ = 	snop  }
0x90: {  	s2 =	sld [smem:$0x3FD0];
	(tm) =	ssettm $0x1  }
0x91: {  	s18 =	sld [smem:$0x3FFB];
	_ =	sdelay $0x3  }
0x92: {  	_ =	strace s18  }
0x93: {  	s3 =	sld [smem:$0x3FFC];
	_ =	sdelay $0x3  }
0x94: {  	_ =	strace s3  }
0x95: {  	s3 =	sld [smem:$0x3FFD];
	_ =	sdelay $0x3  }
0x96: {  	_ =	strace s3  }
0x97: {  	_ =	strace $0x8FFFFFFF  }
0x98: {  	s19 =	sld [smem:$0x3FDB];
	_ =	sdelay $0x1  }
0x99: {  	s4 =	simm.s32 $_scs_section_size  }
0x9a: {  	s5 =	simm.s32 $_size__tile_overlayer_lowered;
	s6 =	simm.s32 $_tile_overlayer_lowered  }
0x9b: {  	s22 =	simm.s32 $0x1BFF;
	s21 =	sshll.u32 s6, $0x1;
	s3 =	sadd.s32 s4, s19  }
0x9c: {  	s7 =	simm.s32 $0x0;
	s20 =	sshll.u32 s5, $0x1;
	s5 =	sadd.s32 s21, s3  }
0x9d: {  	[timem:s7], [sflag:s22] =	dma.local [hbm:s5], s20  }
0x9e: {  	_ =	swait.ge [sflag:s22], s20  }
0x9f: {  	s4 =	ssub.s32 $0x0, s20;
	[sflag:s22] =	ssyncset.done $0x0  }
0xa0: {  	[sflag:s22] =	ssyncadd.s32 s4;
	_ =	sdelay $0x1  }
0xa1: {  	s23 =	simm.s32 $0x1B8B  }
0xa2: {  	_ =	swait.ge [sflag:s23], $0x1  }
0xa3: {  	[sflag:s23] =	ssyncset.done $0x0  }
0xa4: {  	s25 =	simm.s32 $0x1B8E;
	s24 =	sld [smem:$0x3FFE];
	[sflag:s23] =	ssyncadd.s32 $0xFFFFFFFF  }
0xa5: {  	s26 =	simm.s32 $execute0_lowered;
	[smem:$0x3FD2] =	sst s25  }
0xa6: {  	s5 =	sshll.u32 s26, $0x1;
	_ =	strace $0x80000049;
	[dreg:$0x1] =	wrdreg $0xFFFFFFFF  }
0xa7: {  	s28 =	simm.s32 $_size_execute0_lowered;
	s3 =	sadd.s32 s3, s5;
	[dreg:$0x0] =	wrdreg $0x0  }
0xa8: {  	s5 =	sshll.u32 s28, $0x1;
	[dreg:$0x2] =	wrdreg s3  }
0xa9: {  	[dreg:$0x3] =	wrdreg s5  }
0xaa: {  	[dreg:$0x4] =	wrdreg $0xC0  }
0xab: {  	_ =	task [dreg:s7], $0x5FFFF  }
0xac: {  	[dreg:$0x1] =	wrdreg $0xFFFFFFFF  }
0xad: {  	[dreg:$0x0] =	wrdreg $0x60  }
0xae: {  	[dreg:$0x2] =	wrdreg s2  }
0xaf: {  	[dreg:$0x3] =	wrdreg s24  }
0xb0: {  	[dreg:$0x4] =	wrdreg $0x9  }
0xb1: {  	_ =	task.clear_ibuf [dreg:s7], $0x5FFFF;
	_ =	strace $0x90000049  }
0xb2: {  	s29 =	simm.s32 $0x9;
	_ =	strace $0x8000004B  }
0xb3: {  	_ =	swait.ge [sflag:s29], $0x1  }
0xb4: {  	[sflag:s29] =	ssyncadd.s32 $0xFFFFFFFF  }
0xb5: {  	_ =	strace $0x9000004B  }
0xb6: {  	_ =	sfence  }
0xb7: {  	s30 =	sld [smem:$0x0];
	_ =	sdelay $0x2  }
0xb8: {  	s31 =	sshll.u32 s1, $0xD;
	s1 =	sshrl.u32 s1, $0x2  }
0xb9: {  	s3 =	sand.u32 $0x4000, s31;
	s1 =	sadd.s32 s1, s30  }
0xba: {  	s0 =	sor.u32 s3, s0;
	s1 =	sshll.u32 s1, $0x11  }
0xbb: {  	s0 =	sor.u32 s1, s0  }
0xbc: {  	s0 =	sadd.s32 $0x8F2B, s0  }
0xbd: {  	[sflag:s0] =	ssyncadd.remote.s32 $0x1  }
0xbe: {  	_ =	sfence.sel $0xFFFF  }
0xbf: {  	[dreg:$0x0] =	wrdreg $0xFFFFFFFF;
	(pc) =	sbr.abs _section_cstart, $3  }
0xc0: {  	[dreg:$0x1] =	wrdreg $0xFFFFFFFF  }
0xc1: {  	_ =	task.clear_ibuf [dreg:s7], $0x2FFFF;
	_ =	strace $0x9FFFFFFF  }
0xc2: {  	(tm) =	ssettm $0x7FFFFFFF  }
0xc3: {  	_ =	shalt  }
tec
execute0_lowered:
.L_overlay_start_1:
0x0: {  	(tag) =	ssettag $0x1  }
0x1: {  	s1 =	rddreg [dreg:$0x0]  }
0x2: {  	s0 =	rddreg [dreg:$0x1]  }
0x3: {  	s2 =	srdreg.scid;
	s3 =	simm.s32 $0x0;
	s4 =	stileid.u32  }
0x4: {  	s15 =	simm.s32 $0x9;
	s16 =	simm.s32 $0x4000;
	s17 =	simm.s32 $0x8000  }
0x5: {  	s18 =	simm.s32 $0xC000;
	s19 =	simm.s32 $0x1;
	s20 =	simm.s32 $0x10000  }
0x6: {  	s21 =	simm.s32 $0x2;
	s22 =	simm.s32 $0x3;
	s23 =	simm.s32 $0x4  }
0x7: {  	s28 =	simm.s32 $0x8;
	s29 =	simm.s32 $0x0;
	s2 =	sand.u32 $0x1, s2  }
0x8: {  	[smem:$0x7FF] =	sst s3;
	s4 =	sshll.u32 s4, $0x15;
	s24 =	sadd.s32 $0xA00, s0  }
0x9: {  	s6 =	sadd.s32 $0x1200, s0;
	s5 =	sshll.u32 s2, $0x14;
	_ =	strace $0x8000004A  }
0xa: {  	s2 =	ssub.s32 $0x2, s2;
	[dreg:$0x3] =	wrdreg s24;
	s4 =	sor.u32 s5, s4  }
0xb: {  	s24 =	simm.s32 $0x5;
	s25 =	sshrl.u32 s2, $0x1;
	s7 =	sshrl.u32 s4, $0x3  }
.Ltmp0:
0xc: {  	s26 =	ssub.s32 s2, s25;
	s10 =	sor.u32 $0xC000, s4;
	(pc) =	sbr.rel .LBB2_1-.Ltmp0, $4  }
0xd: {  	s11 =	sor.u32 $0x10000, s4;
	s7 =	sadd.s32 s1, s7;
	s0 =	smax.u32 s26, $0x1  }
0xe: {  	s12 =	sor.u32 $0x14000, s4;
	s30 =	sadd.s32 $0x800, s7;
	[dreg:$0x6] =	wrdreg s0  }
0xf: {  	s13 =	sor.u32 $0x18000, s4;
	s31 =	sadd.s32 $0x1000, s7;
	[dreg:$0x4] =	wrdreg s30  }
0x10: {  	s25 =	simm.s32 $0x6;
	s26 =	simm.s32 $0x7;
	[dreg:$0x5] =	wrdreg s31  }
.LBB2_12:
0x11: {  	_ =	swait.ge [sflag:s24], $0x4000  }
0x12: {  	[sflag:s24] =	ssyncset.done $0x0  }
0x13: {  	[sflag:s24] =	ssyncadd.s32 $0xFFFFC000  }
0x14: {  	_ =	swait.ge [sflag:s25], $0x4000  }
0x15: {  	[sflag:s25] =	ssyncset.done $0x0  }
0x16: {  	[sflag:s25] =	ssyncadd.s32 $0xFFFFC000  }
0x17: {  	_ =	swait.ge [sflag:s26], $0x4000  }
0x18: {  	[sflag:s26] =	ssyncset.done $0x0  }
0x19: {  	[sflag:s26] =	ssyncadd.s32 $0xFFFFC000  }
0x1a: {  	_ =	swait.ge [sflag:s28], $0x4000  }
0x1b: {  	s29 =	sadd.s32 $0x1, s29;
	s0 =	rddreg [dreg:$0x6]  }
0x1c: {  	p0 =	sne.s32 s29, s0  }
.Ltmp1:
0x1d: {  	_ = 	snop;
	(pc) =	sbr.rel @!p0 .LBB2_13-.Ltmp1, $3  }
0x1e: {  	_ =	sdelay $0x1  }
0x1f: {  	[sflag:s28] =	ssyncset.done $0x0  }
0x20: {  	[sflag:s28] =	ssyncadd.s32 $0xFFFFC000  }
.LBB2_1:
0x21: {  	s0 =	rddreg [dreg:$0x3]  }
0x22: {  	[tilespmem:s3], [sflag:$0x9] =	stream.linear.gather [hbm4b:s0+s3], $0x4000, $0x38;
	[tilespmem:$0x14000] =	vst v63  }
0x23: {  	_ =	swait.ge [sflag:s15], $0x4000  }
0x24: {  	[sflag:s15] =	ssyncset.done $0x0  }
0x25: {  	[sflag:s15] =	ssyncadd.s32 $0xFFFFC000  }
0x26: {  	[tilespmem:s16], [sflag:$0x1] =	stream.linear.gather [hbm4b:s7+s3], $0x4000, $0x38;
	[tilespmem:$0x14000] =	vst v63  }
0x27: {  	s14 =	rddreg [dreg:$0x4]  }
0x28: {  	[tilespmem:s17], [sflag:$0x2] =	stream.linear.gather [hbm4b:s14+s3], $0x4000, $0x38;
	[tilespmem:$0x14000] =	vst v63  }
0x29: {  	s30 =	simm.s32 $0x0;
	s31 =	rddreg [dreg:$0x5]  }
0x2a: {  	[tilespmem:s18], [sflag:$0x3] =	stream.linear.gather [hbm4b:s31+s3], $0x4000, $0x38;
	[tilespmem:$0x14000] =	vst v63  }
.LBB2_2:
0x2b: {  	_ =	swait.ge [sflag:s19], $0x4000  }
0x2c: {  	[sflag:s19] =	ssyncset.done $0x0  }
0x2d: {  	s0 =	simm.s32 $0x4040;
	[sflag:s19] =	ssyncadd.s32 $0xFFFFC000  }
0x2e: {  	s2 =	simm.s32 $0x40;
	v1 =	vld [tilespmem:s0+$0x30]  }
0x2f: {  	v2 =	vld [tilespmem:s2+$0x30]  }
0x30: {  	v0 =	vld [tilespmem:s2+$0xFFFFFFC0]  }
0x31: {  	v3 =	vld [tilespmem:s0+$0xFFFFFFD0]  }
0x32: {  	v4 =	vld [tilespmem:s2+$0xFFFFFFD0]  }
0x33: {  	v5 =	vld [tilespmem:s0+$0xFFFFFFE0]  }
0x34: {  	v6 =	vld [tilespmem:s2+$0xFFFFFFE0]  }
0x35: {  	v7 =	vld [tilespmem:s0+$0xFFFFFFF0]  }
0x36: {  	v8 =	vld [tilespmem:s2+$0xFFFFFFF0]  }
0x37: {  	v9 =	vld [tilespmem:s0+$0x0]  }
0x38: {  	v10 =	vld [tilespmem:s2+$0x0];
	v2 =	vadd.f32 v2, v1  }
0x39: {  	v4 =	vadd.f32 v4, v3;
	v1 =	vld [tilespmem:s0+$0x10]  }
0x3a: {  	v5 =	vadd.f32 v6, v5;
	v3 =	vld [tilespmem:s2+$0x10];
	[tilespmem:s0+$0x30] =	vst v2  }
0x3b: {  	v6 =	vadd.f32 v8, v7;
	[tilespmem:s0+$0xFFFFFFD0] =	vst v4;
	v2 =	vld [tilespmem:s0+$0x20]  }
0x3c: {  	[tilespmem:s0+$0xFFFFFFE0] =	vst v5;
	v5 =	vld [tilespmem:s2+$0x20]  }
0x3d: {  	s5 =	simm.s32 $0x0;
	s8 =	simm.s32 $0x40C0;
	v4 =	vld [tilespmem:s0+$0xFFFFFFC0];
	[tilespmem:s0+$0xFFFFFFF0] =	vst v6;
	v6 =	vadd.f32 v10, v9  }
.LBB2_3:
0x3e: {  	v7 =	vld [tilespmem:s8+$0x30];
	s2 =	sadd.s32 $0x80, s2  }
0x3f: {  	s5 =	sadd.s32 $0x80, s5;
	v8 =	vld [tilespmem:s2+$0x30];
	[tilespmem:s0+$0x0] =	vst v6;
	v1 =	vadd.f32 v3, v1  }
0x40: {  	p0 =	slt.u32 s5, $0x3F80;
	v3 =	vld [tilespmem:s2+$0xFFFFFFC0]  }
0x41: {  	v6 =	vld [tilespmem:s8+$0xFFFFFFD0];
	[tilespmem:s0+$0x10] =	vst v1;
	v1 =	vadd.f32 v5, v2  }
0x42: {  	v2 =	vld [tilespmem:s2+$0xFFFFFFD0];
	v9 =	vadd.f32 v0, v4  }
0x43: {  	v4 =	vld [tilespmem:s8+$0xFFFFFFE0];
	[tilespmem:s0+$0x20] =	vst v1  }
0x44: {  	v1 =	vld [tilespmem:s2+$0xFFFFFFE0];
	v5 =	vadd.f32 v8, v7;
	[tilespmem:s0+$0xFFFFFFC0] =	vst v9;
	s0 =	smov.u32 s8  }
0x45: {  	v7 =	vld [tilespmem:s8+$0xFFFFFFF0];
	v0 =	vmov v3  }
0x46: {  	v8 =	vld [tilespmem:s2+$0xFFFFFFF0];
	[tilespmem:s8+$0x30] =	vst v5  }
0x47: {  	v2 =	vadd.f32 v2, v6;
	v6 =	vld [tilespmem:s8+$0x0]  }
0x48: {  	v9 =	vld [tilespmem:s2+$0x0]  }
.Ltmp2:
0x49: {  	[tilespmem:s8+$0xFFFFFFD0] =	vst v2;
	v2 =	vadd.f32 v1, v4;
	v1 =	vld [tilespmem:s8+$0x10];
	(pc) =	sbr.rel @p0 .LBB2_3-.Ltmp2, $4  }
0x4a: {  	v3 =	vld [tilespmem:s2+$0x10]  }
0x4b: {  	[tilespmem:s8+$0xFFFFFFE0] =	vst v2;
	v7 =	vadd.f32 v8, v7;
	v2 =	vld [tilespmem:s8+$0x20]  }
0x4c: {  	v5 =	vld [tilespmem:s2+$0x20]  }
0x4d: {  	s8 =	sadd.s32 $0x80, s8;
	v4 =	vld [tilespmem:s0+$0xFFFFFFC0];
	[tilespmem:s0+$0xFFFFFFF0] =	vst v7;
	v6 =	vadd.f32 v9, v6  }
0x4e: {  	_ =	sdelay $0x1  }
0x4f: {  	v1 =	vadd.f32 v3, v1  }
0x50: {  	s31 =	sshll.u32 s30, $0x10;
	[tilespmem:s0+$0x0] =	vst v6;
	v2 =	vadd.f32 v5, v2  }
0x51: {  	s2 =	sor.u32 s4, s31;
	[tilespmem:s0+$0x10] =	vst v1;
	v0 =	vadd.f32 v0, v4  }
0x52: {  	p0 =	seq.s32 s30, $0x0;
	s2 =	sshrl.u32 s2, $0x3;
	[tilespmem:s0+$0x20] =	vst v2  }
0x53: {  	s5 =	simm.s32 @!p0 $0x8;
	s8 =	sadd.s32 s6, s2;
	[tilespmem:s0+$0xFFFFFFC0] =	vst v0  }
0x54: {  	[hbm4b:s8+s3] =	stream.linear.scatter [tilespmem:s16], [sflag:$0x5], $0x4000, $0x38;
	[tilespmem:$0x14000] =	vst v63  }
0x55: {  	s9 =	sadd.s32 s10, s31;
	_ =	swait.ge @!p0 [sflag:s5], $0x4000  }
0x56: {  	s0 =	sshrl.u32 s9, $0x3;
	[sflag:s5] =	ssyncset.done @!p0 $0x0  }
0x57: {  	s14 =	sadd.s32 s1, s0;
	[sflag:s5] =	ssyncadd.s32 @!p0 $0xFFFFC000  }
0x58: {  	[tilespmem:s20], [sflag:$0x4] =	stream.linear.gather [hbm4b:s14+s3], $0x4000, $0x38;
	[tilespmem:$0x14000] =	vst v63  }
0x59: {  	_ =	swait.ge [sflag:s21], $0x4000  }
0x5a: {  	[sflag:s21] =	ssyncset.done $0x0  }
0x5b: {  	s5 =	simm.s32 $0x8040;
	[sflag:s21] =	ssyncadd.s32 $0xFFFFC000  }
0x5c: {  	s8 =	simm.s32 $0x40;
	v1 =	vld [tilespmem:s5+$0x30]  }
0x5d: {  	v2 =	vld [tilespmem:s8+$0x30]  }
0x5e: {  	v0 =	vld [tilespmem:s8+$0xFFFFFFC0]  }
0x5f: {  	v3 =	vld [tilespmem:s5+$0xFFFFFFD0]  }
0x60: {  	v4 =	vld [tilespmem:s8+$0xFFFFFFD0]  }
0x61: {  	v5 =	vld [tilespmem:s5+$0xFFFFFFE0]  }
0x62: {  	v6 =	vld [tilespmem:s8+$0xFFFFFFE0]  }
0x63: {  	v7 =	vld [tilespmem:s5+$0xFFFFFFF0]  }
0x64: {  	v8 =	vld [tilespmem:s8+$0xFFFFFFF0]  }
0x65: {  	v9 =	vld [tilespmem:s5+$0x0]  }
0x66: {  	v10 =	vld [tilespmem:s8+$0x0];
	v2 =	vadd.f32 v2, v1  }
0x67: {  	v4 =	vadd.f32 v4, v3;
	v1 =	vld [tilespmem:s5+$0x10]  }
0x68: {  	v5 =	vadd.f32 v6, v5;
	v3 =	vld [tilespmem:s8+$0x10];
	[tilespmem:s5+$0x30] =	vst v2  }
0x69: {  	v6 =	vadd.f32 v8, v7;
	[tilespmem:s5+$0xFFFFFFD0] =	vst v4;
	v2 =	vld [tilespmem:s5+$0x20]  }
0x6a: {  	[tilespmem:s5+$0xFFFFFFE0] =	vst v5;
	v5 =	vld [tilespmem:s8+$0x20]  }
0x6b: {  	s9 =	simm.s32 $0x0;
	s14 =	simm.s32 $0x80C0;
	v4 =	vld [tilespmem:s5+$0xFFFFFFC0];
	[tilespmem:s5+$0xFFFFFFF0] =	vst v6;
	v6 =	vadd.f32 v10, v9  }
.LBB2_5:
0x6c: {  	v7 =	vld [tilespmem:s14+$0x30];
	s8 =	sadd.s32 $0x80, s8  }
0x6d: {  	s9 =	sadd.s32 $0x80, s9;
	v8 =	vld [tilespmem:s8+$0x30];
	[tilespmem:s5+$0x0] =	vst v6;
	v1 =	vadd.f32 v3, v1  }
0x6e: {  	p0 =	slt.u32 s9, $0x3F80;
	v3 =	vld [tilespmem:s8+$0xFFFFFFC0]  }
0x6f: {  	v6 =	vld [tilespmem:s14+$0xFFFFFFD0];
	[tilespmem:s5+$0x10] =	vst v1;
	v1 =	vadd.f32 v5, v2  }
0x70: {  	v2 =	vld [tilespmem:s8+$0xFFFFFFD0];
	v9 =	vadd.f32 v0, v4  }
0x71: {  	v4 =	vld [tilespmem:s14+$0xFFFFFFE0];
	[tilespmem:s5+$0x20] =	vst v1  }
0x72: {  	v1 =	vld [tilespmem:s8+$0xFFFFFFE0];
	v5 =	vadd.f32 v8, v7;
	[tilespmem:s5+$0xFFFFFFC0] =	vst v9;
	s5 =	smov.u32 s14  }
0x73: {  	v7 =	vld [tilespmem:s14+$0xFFFFFFF0];
	v0 =	vmov v3  }
0x74: {  	v8 =	vld [tilespmem:s8+$0xFFFFFFF0];
	[tilespmem:s14+$0x30] =	vst v5  }
0x75: {  	v2 =	vadd.f32 v2, v6;
	v6 =	vld [tilespmem:s14+$0x0]  }
0x76: {  	v9 =	vld [tilespmem:s8+$0x0]  }
.Ltmp3:
0x77: {  	[tilespmem:s14+$0xFFFFFFD0] =	vst v2;
	v2 =	vadd.f32 v1, v4;
	v1 =	vld [tilespmem:s14+$0x10];
	(pc) =	sbr.rel @p0 .LBB2_5-.Ltmp3, $4  }
0x78: {  	v3 =	vld [tilespmem:s8+$0x10]  }
0x79: {  	[tilespmem:s14+$0xFFFFFFE0] =	vst v2;
	v7 =	vadd.f32 v8, v7;
	v2 =	vld [tilespmem:s14+$0x20]  }
0x7a: {  	v5 =	vld [tilespmem:s8+$0x20]  }
0x7b: {  	s14 =	sadd.s32 $0x80, s14;
	v4 =	vld [tilespmem:s5+$0xFFFFFFC0];
	[tilespmem:s5+$0xFFFFFFF0] =	vst v7;
	v6 =	vadd.f32 v9, v6  }
0x7c: {  	_ =	sdelay $0x1  }
0x7d: {  	v1 =	vadd.f32 v3, v1  }
0x7e: {  	[tilespmem:s5+$0x0] =	vst v6;
	v2 =	vadd.f32 v5, v2  }
0x7f: {  	[tilespmem:s5+$0x10] =	vst v1;
	v0 =	vadd.f32 v0, v4  }
0x80: {  	s2 =	sadd.s32 s2, s6;
	p0 =	seq.s32 s30, $0xF;
	[tilespmem:s5+$0x20] =	vst v2  }
0x81: {  	s14 =	sadd.s32 $0x800, s2;
	[tilespmem:s5+$0xFFFFFFC0] =	vst v0;
	s5 =	simm.s32 @!p0 $0x5  }
0x82: {  	[hbm4b:s14+s3] =	stream.linear.scatter [tilespmem:s17], [sflag:$0x6], $0x4000, $0x38;
	[tilespmem:$0x14000] =	vst v63  }
0x83: {  	_ =	swait.ge @!p0 [sflag:s5], $0x4000  }
0x84: {  	s8 =	sadd.s32 @!p0 s31, s11;
	[sflag:s5] =	ssyncset.done @!p0 $0x0  }
0x85: {  	[sflag:s5] =	ssyncadd.s32 @!p0 $0xFFFFC000;
	s5 =	sshrl.u32 @!p0 s8, $0x3  }
0x86: {  	s9 =	simm.s32 @!p0 $0x4000;
	s8 =	simm.s32 @!p0 $0x0;
	s5 =	sadd.s32 @!p0 s1, s5  }
0x87: {  	[tilespmem:s9], [sflag:$0x1] =	stream.linear.gather @!p0 [hbm4b:s5+s8], $0x4000, $0x38;
	[tilespmem:$0x14000] =	vst v63  }
0x88: {  	_ =	swait.ge [sflag:s22], $0x4000  }
0x89: {  	[sflag:s22] =	ssyncset.done $0x0  }
0x8a: {  	s5 =	simm.s32 $0xC040;
	[sflag:s22] =	ssyncadd.s32 $0xFFFFC000  }
0x8b: {  	s8 =	simm.s32 $0x40;
	v1 =	vld [tilespmem:s5+$0x30]  }
0x8c: {  	v2 =	vld [tilespmem:s8+$0x30]  }
0x8d: {  	v0 =	vld [tilespmem:s8+$0xFFFFFFC0]  }
0x8e: {  	v3 =	vld [tilespmem:s5+$0xFFFFFFD0]  }
0x8f: {  	v4 =	vld [tilespmem:s8+$0xFFFFFFD0]  }
0x90: {  	v5 =	vld [tilespmem:s5+$0xFFFFFFE0]  }
0x91: {  	v6 =	vld [tilespmem:s8+$0xFFFFFFE0]  }
0x92: {  	v7 =	vld [tilespmem:s5+$0xFFFFFFF0]  }
0x93: {  	v8 =	vld [tilespmem:s8+$0xFFFFFFF0]  }
0x94: {  	v9 =	vld [tilespmem:s5+$0x0]  }
0x95: {  	v10 =	vld [tilespmem:s8+$0x0];
	v2 =	vadd.f32 v2, v1  }
0x96: {  	v4 =	vadd.f32 v4, v3;
	v1 =	vld [tilespmem:s5+$0x10]  }
0x97: {  	v5 =	vadd.f32 v6, v5;
	v3 =	vld [tilespmem:s8+$0x10];
	[tilespmem:s5+$0x30] =	vst v2  }
0x98: {  	v6 =	vadd.f32 v8, v7;
	[tilespmem:s5+$0xFFFFFFD0] =	vst v4;
	v2 =	vld [tilespmem:s5+$0x20]  }
0x99: {  	[tilespmem:s5+$0xFFFFFFE0] =	vst v5;
	v5 =	vld [tilespmem:s8+$0x20]  }
0x9a: {  	s14 =	simm.s32 $0xC0C0;
	s9 =	simm.s32 $0x0;
	v4 =	vld [tilespmem:s5+$0xFFFFFFC0];
	[tilespmem:s5+$0xFFFFFFF0] =	vst v6;
	v6 =	vadd.f32 v10, v9  }
.LBB2_7:
0x9b: {  	v7 =	vld [tilespmem:s14+$0x30];
	s8 =	sadd.s32 $0x80, s8  }
0x9c: {  	s9 =	sadd.s32 $0x80, s9;
	v8 =	vld [tilespmem:s8+$0x30];
	[tilespmem:s5+$0x0] =	vst v6;
	v1 =	vadd.f32 v3, v1  }
0x9d: {  	p1 =	slt.u32 s9, $0x3F80;
	v3 =	vld [tilespmem:s8+$0xFFFFFFC0]  }
0x9e: {  	v6 =	vld [tilespmem:s14+$0xFFFFFFD0];
	[tilespmem:s5+$0x10] =	vst v1;
	v1 =	vadd.f32 v5, v2  }
0x9f: {  	v2 =	vld [tilespmem:s8+$0xFFFFFFD0];
	v9 =	vadd.f32 v0, v4  }
0xa0: {  	v4 =	vld [tilespmem:s14+$0xFFFFFFE0];
	[tilespmem:s5+$0x20] =	vst v1  }
0xa1: {  	v1 =	vld [tilespmem:s8+$0xFFFFFFE0];
	v5 =	vadd.f32 v8, v7;
	[tilespmem:s5+$0xFFFFFFC0] =	vst v9;
	s5 =	smov.u32 s14  }
0xa2: {  	v7 =	vld [tilespmem:s14+$0xFFFFFFF0];
	v0 =	vmov v3  }
0xa3: {  	v8 =	vld [tilespmem:s8+$0xFFFFFFF0];
	[tilespmem:s14+$0x30] =	vst v5  }
0xa4: {  	v2 =	vadd.f32 v2, v6;
	v6 =	vld [tilespmem:s14+$0x0]  }
0xa5: {  	v9 =	vld [tilespmem:s8+$0x0]  }
.Ltmp4:
0xa6: {  	[tilespmem:s14+$0xFFFFFFD0] =	vst v2;
	v2 =	vadd.f32 v1, v4;
	v1 =	vld [tilespmem:s14+$0x10];
	(pc) =	sbr.rel @p1 .LBB2_7-.Ltmp4, $4  }
0xa7: {  	v3 =	vld [tilespmem:s8+$0x10]  }
0xa8: {  	[tilespmem:s14+$0xFFFFFFE0] =	vst v2;
	v7 =	vadd.f32 v8, v7;
	v2 =	vld [tilespmem:s14+$0x20]  }
0xa9: {  	v5 =	vld [tilespmem:s8+$0x20]  }
0xaa: {  	s14 =	sadd.s32 $0x80, s14;
	v4 =	vld [tilespmem:s5+$0xFFFFFFC0];
	[tilespmem:s5+$0xFFFFFFF0] =	vst v7;
	v6 =	vadd.f32 v9, v6  }
0xab: {  	_ =	sdelay $0x1  }
0xac: {  	v1 =	vadd.f32 v3, v1  }
0xad: {  	[tilespmem:s5+$0x0] =	vst v6;
	v2 =	vadd.f32 v5, v2  }
0xae: {  	[tilespmem:s5+$0x10] =	vst v1;
	v0 =	vadd.f32 v0, v4  }
0xaf: {  	[tilespmem:s5+$0x20] =	vst v2  }
0xb0: {  	s2 =	sadd.s32 $0x1000, s2;
	[tilespmem:s5+$0xFFFFFFC0] =	vst v0  }
0xb1: {  	[hbm4b:s2+s3] =	stream.linear.scatter [tilespmem:s18], [sflag:$0x7], $0x4000, $0x38;
	[tilespmem:$0x14000] =	vst v63  }
0xb2: {  	s2 =	simm.s32 @!p0 $0x6  }
0xb3: {  	_ =	swait.ge @!p0 [sflag:s2], $0x4000  }
0xb4: {  	s5 =	sadd.s32 @!p0 s31, s12;
	[sflag:s2] =	ssyncset.done @!p0 $0x0  }
0xb5: {  	[sflag:s2] =	ssyncadd.s32 @!p0 $0xFFFFC000;
	s2 =	sshrl.u32 @!p0 s5, $0x3  }
0xb6: {  	s8 =	simm.s32 @!p0 $0x8000;
	s5 =	simm.s32 @!p0 $0x0;
	s2 =	sadd.s32 @!p0 s1, s2  }
0xb7: {  	[tilespmem:s8], [sflag:$0x2] =	stream.linear.gather @!p0 [hbm4b:s2+s5], $0x4000, $0x38;
	[tilespmem:$0x14000] =	vst v63  }
0xb8: {  	_ =	swait.ge [sflag:s23], $0x4000  }
0xb9: {  	[sflag:s23] =	ssyncset.done $0x0  }
0xba: {  	s2 =	simm.s32 $0x10040;
	[sflag:s23] =	ssyncadd.s32 $0xFFFFC000  }
0xbb: {  	s5 =	simm.s32 $0x40;
	v1 =	vld [tilespmem:s2+$0x30]  }
0xbc: {  	v2 =	vld [tilespmem:s5+$0x30]  }
0xbd: {  	v0 =	vld [tilespmem:s5+$0xFFFFFFC0]  }
0xbe: {  	v3 =	vld [tilespmem:s2+$0xFFFFFFD0]  }
0xbf: {  	v4 =	vld [tilespmem:s5+$0xFFFFFFD0]  }
0xc0: {  	v5 =	vld [tilespmem:s2+$0xFFFFFFE0]  }
0xc1: {  	v6 =	vld [tilespmem:s5+$0xFFFFFFE0]  }
0xc2: {  	v7 =	vld [tilespmem:s2+$0xFFFFFFF0]  }
0xc3: {  	v8 =	vld [tilespmem:s5+$0xFFFFFFF0]  }
0xc4: {  	v9 =	vld [tilespmem:s2+$0x0]  }
0xc5: {  	v10 =	vld [tilespmem:s5+$0x0];
	v2 =	vadd.f32 v2, v1  }
0xc6: {  	v4 =	vadd.f32 v4, v3;
	v1 =	vld [tilespmem:s2+$0x10]  }
0xc7: {  	v5 =	vadd.f32 v6, v5;
	v3 =	vld [tilespmem:s5+$0x10];
	[tilespmem:s2+$0x30] =	vst v2  }
0xc8: {  	v6 =	vadd.f32 v8, v7;
	[tilespmem:s2+$0xFFFFFFD0] =	vst v4;
	v2 =	vld [tilespmem:s2+$0x20]  }
0xc9: {  	[tilespmem:s2+$0xFFFFFFE0] =	vst v5;
	v5 =	vld [tilespmem:s5+$0x20]  }
0xca: {  	s9 =	simm.s32 $0x100C0;
	s8 =	simm.s32 $0x0;
	v4 =	vld [tilespmem:s2+$0xFFFFFFC0];
	[tilespmem:s2+$0xFFFFFFF0] =	vst v6;
	v6 =	vadd.f32 v10, v9  }
.LBB2_9:
0xcb: {  	v7 =	vld [tilespmem:s9+$0x30];
	s5 =	sadd.s32 $0x80, s5  }
0xcc: {  	s8 =	sadd.s32 $0x80, s8;
	v8 =	vld [tilespmem:s5+$0x30];
	[tilespmem:s2+$0x0] =	vst v6;
	v1 =	vadd.f32 v3, v1  }
0xcd: {  	p1 =	slt.u32 s8, $0x3F80;
	v3 =	vld [tilespmem:s5+$0xFFFFFFC0]  }
0xce: {  	v6 =	vld [tilespmem:s9+$0xFFFFFFD0];
	[tilespmem:s2+$0x10] =	vst v1;
	v1 =	vadd.f32 v5, v2  }
0xcf: {  	v2 =	vld [tilespmem:s5+$0xFFFFFFD0];
	v9 =	vadd.f32 v0, v4  }
0xd0: {  	v4 =	vld [tilespmem:s9+$0xFFFFFFE0];
	[tilespmem:s2+$0x20] =	vst v1  }
0xd1: {  	v1 =	vld [tilespmem:s5+$0xFFFFFFE0];
	v5 =	vadd.f32 v8, v7;
	[tilespmem:s2+$0xFFFFFFC0] =	vst v9;
	s2 =	smov.u32 s9  }
0xd2: {  	v7 =	vld [tilespmem:s9+$0xFFFFFFF0];
	v0 =	vmov v3  }
0xd3: {  	v8 =	vld [tilespmem:s5+$0xFFFFFFF0];
	[tilespmem:s9+$0x30] =	vst v5  }
0xd4: {  	v2 =	vadd.f32 v2, v6;
	v6 =	vld [tilespmem:s9+$0x0]  }
0xd5: {  	v9 =	vld [tilespmem:s5+$0x0]  }
.Ltmp5:
0xd6: {  	[tilespmem:s9+$0xFFFFFFD0] =	vst v2;
	v2 =	vadd.f32 v1, v4;
	v1 =	vld [tilespmem:s9+$0x10];
	(pc) =	sbr.rel @p1 .LBB2_9-.Ltmp5, $4  }
0xd7: {  	v3 =	vld [tilespmem:s5+$0x10]  }
0xd8: {  	[tilespmem:s9+$0xFFFFFFE0] =	vst v2;
	v7 =	vadd.f32 v8, v7;
	v2 =	vld [tilespmem:s9+$0x20]  }
0xd9: {  	v5 =	vld [tilespmem:s5+$0x20]  }
0xda: {  	s9 =	sadd.s32 $0x80, s9;
	v4 =	vld [tilespmem:s2+$0xFFFFFFC0];
	[tilespmem:s2+$0xFFFFFFF0] =	vst v7;
	v6 =	vadd.f32 v9, v6  }
0xdb: {  	_ =	sdelay $0x1  }
0xdc: {  	v1 =	vadd.f32 v3, v1  }
.Ltmp6:
0xdd: {  	[tilespmem:s2+$0x0] =	vst v6;
	v2 =	vadd.f32 v5, v2;
	(pc) =	sbr.rel @p0 .LBB2_12-.Ltmp6, $4  }
0xde: {  	[tilespmem:s2+$0x10] =	vst v1;
	v0 =	vadd.f32 v0, v4  }
0xdf: {  	[tilespmem:s2+$0x20] =	vst v2  }
0xe0: {  	s0 =	sadd.s32 s6, s0;
	[tilespmem:s2+$0xFFFFFFC0] =	vst v0  }
0xe1: {  	[hbm4b:s0+s3] =	stream.linear.scatter [tilespmem:s20], [sflag:$0x8], $0x4000, $0x38;
	[tilespmem:$0x14000] =	vst v63  }
.Ltmp7:
0xe2: {  	(pc) =	sbr.rel .LBB2_2-.Ltmp7, $4  }
0xe3: {  	_ =	swait.ge [sflag:s26], $0x4000;
	s0 =	sadd.s32 s31, s13  }
0xe4: {  	[sflag:s26] =	ssyncset.done $0x0;
	s0 =	sshrl.u32 s0, $0x3  }
0xe5: {  	s30 =	sadd.s32 $0x1, s30;
	[sflag:s26] =	ssyncadd.s32 $0xFFFFC000;
	s0 =	sadd.s32 s1, s0  }
0xe6: {  	[tilespmem:s18], [sflag:$0x3] =	stream.linear.gather [hbm4b:s0+s3], $0x4000, $0x38;
	[tilespmem:$0x14000] =	vst v63  }
.LBB2_13:
0xe7: {  	_ =	sfence.sel $0x180000  }
0xe8: {  	[bflag:$0x0] =	sbarrier.arrive $0xFFFF  }
0xe9: {  	_ =	strace $0x9000004A  }
0xea: {  	s0 =	stileid.u32;
	[bflag:$0x2] =	sbarrier.arrive $0xFFFF  }
0xeb: {  	p0 =	sne.s32 s0, $0x0;
	s0 =	rddreg [dreg:$0x2]  }
0xec: {  	s0 =	sadd.s32 @!p0 $0x100000, s0  }
0xed: {  	[sflag:s0] =	ssyncadd.tile.s32 @!p0 $0x1;
	_ =	shalt  }
.Lfunc_end2:
_tile_overlayer_lowered:
.L_overlay_start_2:
0xee: {  	(tag) =	ssettag $0x2  }
0xef: {  	s0 =	rddreg [dreg:$0x0];
	s2 =	stileid.u32  }
0xf0: {  	s1 =	rddreg [dreg:$0x1];
	p0 =	sne.s32 s2, $0x0  }
0xf1: {  	s3 =	rddreg [dreg:$0x2];
	[bflag:$0x3] =	sbarrier.arrive $0xFFFF;
	s2 =	simm.s32 @!p0 $0x1C09  }
0xf2: {  	[timem:s3], [sflag:s2] =	dma.local @!p0 [hbm:s0], s1  }
0xf3: {  	s0 =	simm.s32 @!p0 $0x9  }
0xf4: {  	_ =	swait.ge @!p0 [sflag:s0], s1  }
0xf5: {  	s1 =	ssub.s32 @!p0 $0x0, s1;
	[sflag:s0] =	ssyncset.done @!p0 $0x0  }
0xf6: {  	[sflag:s0] =	ssyncadd.s32 @!p0 s1  }
0xf7: {  	[bflag:$0x3] =	sbarrier.arrive $0xFFFF  }
0xf8: {  	_ =	shalt  }

// kernel: sparse-core-data-format-call.cloned.1.call-start
scs
called_computation_lowered:
.L_overlay_start_0:
0x0: {  	s2 =	sld [smem:$0x3FD9]  }
0x1: {  	s3 =	sld [smem:$0x3FFE];
	_ =	sdelay $0x1  }
0x2: {  	s1 =	srdreg.scid  }
0x3: {  	s0 =	sand.u32 $0x1, s1  }
0x4: {  	s19 =	sshll.u32 s0, $0xA;
	s2 =	sadd.s32 s3, s2  }
0x5: {  	s2 =	sadd.s32 s2, s19  }
0x6: {  	[smem:$0x3FC6] =	sst s2  }
0x7: {  	_ = 	snop  }
0x8: {  	s2 =	sld [smem:$0x3FC9]  }
0x9: {  	s20 =	sld [smem:$0x3FD0];
	(tm) =	ssettm $0x1  }
0xa: {  	s4 =	sld [smem:$0x3FFB];
	_ =	sdelay $0x3  }
0xb: {  	_ =	strace s4  }
0xc: {  	s4 =	sld [smem:$0x3FFC];
	_ =	sdelay $0x3  }
0xd: {  	_ =	strace s4  }
0xe: {  	s4 =	sld [smem:$0x3FFD];
	_ =	sdelay $0x3  }
0xf: {  	_ =	strace s4  }
0x10: {  	_ =	strace $0x8FFFFFFF  }
0x11: {  	s21 =	sld [smem:$0x3FDB];
	_ =	sdelay $0x1  }
0x12: {  	s5 =	simm.s32 $_scs_section_size  }
0x13: {  	s6 =	simm.s32 $_size__tile_overlayer_lowered;
	s7 =	simm.s32 $_tile_overlayer_lowered  }
0x14: {  	s24 =	simm.s32 $0x1BFF;
	s23 =	sshll.u32 s7, $0x1;
	s4 =	sadd.s32 s5, s21  }
0x15: {  	s8 =	simm.s32 $0x0;
	s22 =	sshll.u32 s6, $0x1;
	s6 =	sadd.s32 s23, s4  }
0x16: {  	[timem:s8], [sflag:s24] =	dma.local [hbm:s6], s22  }
0x17: {  	_ =	swait.ge [sflag:s24], s22  }
0x18: {  	s5 =	ssub.s32 $0x0, s22;
	[sflag:s24] =	ssyncset.done $0x0  }
0x19: {  	[sflag:s24] =	ssyncadd.s32 s5;
	_ =	sdelay $0x1  }
0x1a: {  	s25 =	simm.s32 $0x1B8B  }
0x1b: {  	_ =	swait.ge [sflag:s25], $0x1  }
0x1c: {  	[sflag:s25] =	ssyncset.done $0x0  }
0x1d: {  	s26 =	simm.s32 $0x1B8E;
	[sflag:s25] =	ssyncadd.s32 $0xFFFFFFFF  }
0x1e: {  	s27 =	simm.s32 $execute0_lowered;
	[smem:$0x3FD2] =	sst s26  }
0x1f: {  	s5 =	sshll.u32 s27, $0x1;
	_ =	strace $0x80000046;
	[dreg:$0x1] =	wrdreg $0xFFFFFFFF  }
0x20: {  	s28 =	simm.s32 $_size_execute0_lowered;
	s4 =	sadd.s32 s4, s5;
	[dreg:$0x0] =	wrdreg $0x0  }
0x21: {  	s5 =	sshll.u32 s28, $0x1;
	[dreg:$0x2] =	wrdreg s4  }
0x22: {  	[dreg:$0x3] =	wrdreg s5  }
0x23: {  	[dreg:$0x4] =	wrdreg $0xC0  }
0x24: {  	_ =	task [dreg:s8], $0x5FFFF  }
0x25: {  	[dreg:$0x1] =	wrdreg $0xFFFFFFFF  }
0x26: {  	[dreg:$0x0] =	wrdreg $0x60  }
0x27: {  	[dreg:$0x2] =	wrdreg s2  }
0x28: {  	[dreg:$0x3] =	wrdreg s20  }
0x29: {  	[dreg:$0x4] =	wrdreg $0x9  }
0x2a: {  	_ =	task.clear_ibuf [dreg:s8], $0x5FFFF;
	_ =	strace $0x90000046  }
0x2b: {  	s29 =	simm.s32 $0x9;
	_ =	strace $0x80000048  }
0x2c: {  	_ =	swait.ge [sflag:s29], $0x1  }
0x2d: {  	[sflag:s29] =	ssyncadd.s32 $0xFFFFFFFF  }
0x2e: {  	_ =	strace $0x90000048  }
0x2f: {  	_ =	sfence  }
0x30: {  	s30 =	sld [smem:$0x0];
	_ =	sdelay $0x2  }
0x31: {  	s31 =	sshll.u32 s1, $0xD;
	s1 =	sshrl.u32 s1, $0x2  }
0x32: {  	s3 =	sand.u32 $0x4000, s31;
	s1 =	sadd.s32 s1, s30  }
0x33: {  	s0 =	sor.u32 s3, s0;
	s1 =	sshll.u32 s1, $0x11  }
0x34: {  	s0 =	sor.u32 s1, s0  }
0x35: {  	s0 =	sadd.s32 $0x8F2B, s0  }
0x36: {  	[sflag:s0] =	ssyncadd.remote.s32 $0x1  }
0x37: {  	_ =	sfence.sel $0xFFFF  }
0x38: {  	[dreg:$0x0] =	wrdreg $0xFFFFFFFF;
	(pc) =	sbr.abs _section_cstart, $3  }
0x39: {  	[dreg:$0x1] =	wrdreg $0xFFFFFFFF  }
0x3a: {  	_ =	task.clear_ibuf [dreg:s8], $0x2FFFF;
	_ =	strace $0x9FFFFFFF  }
0x3b: {  	(tm) =	ssettm $0x7FFFFFFF  }
tec
execute0_lowered:
.L_overlay_start_1:
0x0: {  	(tag) =	ssettag $0x1  }
0x1: {  	s0 =	srdreg.scid  }
0x2: {  	s1 =	sshll.u32 s0, $0x4  }
0x3: {  	s2 =	rddreg [dreg:$0x0];
	s0 =	stileid.u32;
	s1 =	sand.u32 $0x10, s1  }
0x4: {  	s4 =	rddreg [dreg:$0x1];
	s1 =	sor.u32 s0, s1  }
0x5: {  	s7 =	simm.s32 $0x1;
	s8 =	simm.s32 $0x2;
	s3 =	sshll.u32 s1, $0x1  }
0x6: {  	s9 =	simm.s32 $0x0;
	s12 =	simm.s32 $0x0;
	s6 =	ssub.s32 $0x1000, s3  }
.Ltmp0:
0x7: {  	s11 =	simm.s32 $0x0;
	s5 =	sand.u32 $0x3E, s6;
	(pc) =	sbr.rel .LBB1_1-.Ltmp0, $4  }
0x8: {  	s1 =	rddreg [dreg:$0x2];
	_ =	strace $0x80000047;
	p0 =	sne.s32 s5, $0x0  }
0x9: {  	s6 =	sshrl.u32 s6, $0x6;
	s5 =	simm.s32 $0x1;
	s7 =	simm.s32 @!p0 $0x0  }
0xa: {  	s10 =	smov.u32 s3;
	[sflag:s5] =	ssyncpa.u1 $0x0;
	s6 =	sadd.s32 s7, s6  }
0xb: {  	[sflag:s8] =	ssyncpa.u1 $0x0;
	s8 =	simm.s32 $0x0;
	s7 =	sadd.s32 $0x1, s6  }
.LBB1_9:
0xc: {  	s14 =	sadd.s32 $0x40, s10  }
0xd: {  	p1 =	sgt.s32 s14, $0xFFF  }
0xe: {  	s14 =	smov.u32 @p1 s3;
	p1 =	sne.s32 s11, s7  }
.Ltmp1:
0xf: {  	p0 =	slt.u32 s11, $0x2;
	(pc) =	sbr.rel @!p1 .LBB1_10-.Ltmp1, $4  }
0x10: {  	s13 =	simm.s32 @!p0 $0x2  }
0x11: {  	s15 =	sadd.s32 $0x1, s11;
	_ =	swait.ge @!p0 [sflag:s13], $0x4000  }
0x12: {  	s12 =	smov.u32 s10;
	s9 =	sadd.s32 $0x4000, s9;
	[sflag:s13] =	ssyncset.done @!p0 $0x0  }
0x13: {  	s11 =	smov.u32 s15;
	s10 =	smov.u32 s14;
	[sflag:s13] =	ssyncadd.s32 @!p0 $0xFFFFC000  }
.LBB1_1:
0x14: {  	p0 =	sge.u32 s11, s6  }
0x15: {  	s13 =	sxor.u32 @!p0 $0xFFFFFFFF, s11  }
0x16: {  	s31 =	sadd.s32 $0xFFFFFFFF, s11;
	s14 =	sshll.u32 @!p0 s10, $0xA;
	s13 =	sshll.u32 @!p0 s13, $0xE  }
0x17: {  	s15 =	simm.s32 @!p0 $0x0;
	s14 =	sadd.s32 @!p0 s2, s14;
	s13 =	sand.u32 @!p0 $0x4000, s13  }
0x18: {  	[tilespmem:s13], [sflag:$0x1] =	stream.linear.gather @!p0 [hbm4b:s14+s15], $0x4000, $0x38;
	[tilespmem:$0x10000] =	vst v63  }
0x19: {  	p0 =	sge.u32 s31, s6  }
.Ltmp2:
0x1a: {  	_ = 	snop;
	(pc) =	sbr.rel @p0 .LBB1_9-.Ltmp2, $1  }
0x1b: {  	_ =	sdelay $0x3  }
0x1c: {  	s13 =	sshll.u32 s9, $0x2  }
0x1d: {  	_ =	swait.ge [sflag:s5], $0x4000;
	s14 =	sshll.u32 s11, $0xE;
	s16 =	simm.s32 $0x0  }
0x1e: {  	p1 =	por $0x1, $0x1;
	s13 =	sand.u32 $0x10000, s13;
	[sflag:s5] =	ssyncset.done $0x0  }
0x1f: {  	s14 =	sand.u32 $0x4000, s14;
	s15 =	sshrl.u32 s13, $0x2;
	[sflag:s5] =	ssyncadd.s32 $0xFFFFC000  }
0x20: {  	s13 =	sor.u32 $0x8000, s14;
	s14 =	sadd.s32 $0x8040, s15;
	s15 =	sadd.s32 $0x40, s15  }
.LBB1_3:
0x21: {  	s16 =	sshll.u32 s16, $0x2  }
0x22: {  	p0 =	por p1, p1;
	s17 =	sshra.s32 s16, $0x2  }
0x23: {  	s18 =	simm.s32 $0x0;
	s16 =	sadd.s32 s17, s14;
	s17 =	sadd.s32 s17, s15  }
.LBB1_4:
0x24: {  	v0 =	vmov s17;
	_ =	sdelay $0x3  }
0x25: {  	s20 =	simm.s32 $0x0  }
0x26: {  	v6 =	vld.idx.msk [tilespmem:v0+s20+$0x30 ss:$0x1], $0xffff  }
0x27: {  	v7 =	vld.idx.msk [tilespmem:v0+s20+$0xFFFFFFC0 ss:$0x1], $0xffff  }
0x28: {  	v5 =	vld.idx.msk [tilespmem:v0+s20+$0xFFFFFFD0 ss:$0x1], $0xffff  }
0x29: {  	v4 =	vld.idx.msk [tilespmem:v0+s20+$0xFFFFFFE0 ss:$0x1], $0xffff  }
0x2a: {  	v3 =	vld.idx.msk [tilespmem:v0+s20+$0xFFFFFFF0 ss:$0x1], $0xffff  }
0x2b: {  	v1 =	vld.idx.msk [tilespmem:v0+s20+$0x0 ss:$0x1], $0xffff  }
0x2c: {  	v2 =	vld.idx.msk [tilespmem:v0+s20+$0x10 ss:$0x1], $0xffff;
	[tilespmem:s16+$0x30] =	vst v6  }
0x2d: {  	s19 =	simm.s32 $0x80;
	s21 =	simm.s32 $0x400;
	[tilespmem:s16+$0xFFFFFFC0] =	vst v7;
	v6 =	vld.idx.msk [tilespmem:v0+s20+$0x20 ss:$0x1], $0xffff;
	s20 =	smov.u32 s16  }
.LBB1_5:
0x2e: {  	p1 =	sne.s32 s21, $0xE00;
	v7 =	vld.idx.msk [tilespmem:v0+s19+$0x30 ss:$0x1], $0xffff;
	[tilespmem:s20+$0xFFFFFFD0] =	vst v5  }
0x2f: {  	v8 =	vld.idx.msk [tilespmem:v0+s19+$0xFFFFFFC0 ss:$0x1], $0xffff;
	[tilespmem:s20+$0xFFFFFFE0] =	vst v4  }
0x30: {  	v5 =	vld.idx.msk [tilespmem:v0+s19+$0xFFFFFFD0 ss:$0x1], $0xffff;
	[tilespmem:s20+$0xFFFFFFF0] =	vst v3  }
.Ltmp3:
0x31: {  	v4 =	vld.idx.msk [tilespmem:v0+s19+$0xFFFFFFE0 ss:$0x1], $0xffff;
	[tilespmem:s20+$0x0] =	vst v1;
	(pc) =	sbr.rel @p1 .LBB1_5-.Ltmp3, $4  }
0x32: {  	v3 =	vld.idx.msk [tilespmem:v0+s19+$0xFFFFFFF0 ss:$0x1], $0xffff;
	[tilespmem:s20+$0x10] =	vst v2  }
0x33: {  	v1 =	vld.idx.msk [tilespmem:v0+s19+$0x0 ss:$0x1], $0xffff;
	[tilespmem:s20+$0x20] =	vst v6;
	s20 =	sadd.s32 $0x400, s20  }
0x34: {  	v2 =	vld.idx.msk [tilespmem:v0+s19+$0x10 ss:$0x1], $0xffff;
	[tilespmem:s20+$0x30] =	vst v7  }
0x35: {  	[tilespmem:s20+$0xFFFFFFC0] =	vst v8;
	v6 =	vld.idx.msk [tilespmem:v0+s19+$0x20 ss:$0x1], $0xffff;
	s19 =	sshra.s32 s21, $0x2;
	s21 =	sadd.s32 $0x200, s21  }
0x36: {  	_ =	sdelay $0x2  }
0x37: {  	[tilespmem:s20+$0xFFFFFFD0] =	vst v5  }
0x38: {  	v56 =	vld.idx.msk [tilespmem:v0+s19+$0x30 ss:$0x1], $0xffff;
	[tilespmem:s20+$0xFFFFFFE0] =	vst v4  }
0x39: {  	v57 =	vld.idx.msk [tilespmem:v0+s19+$0xFFFFFFC0 ss:$0x1], $0xffff;
	[tilespmem:s20+$0xFFFFFFF0] =	vst v3  }
0x3a: {  	v58 =	vld.idx.msk [tilespmem:v0+s19+$0xFFFFFFD0 ss:$0x1], $0xffff;
	[tilespmem:s20+$0x0] =	vst v1  }
0x3b: {  	v59 =	vld.idx.msk [tilespmem:v0+s19+$0xFFFFFFE0 ss:$0x1], $0xffff;
	[tilespmem:s20+$0x10] =	vst v2  }
0x3c: {  	v60 =	vld.idx.msk [tilespmem:v0+s19+$0xFFFFFFF0 ss:$0x1], $0xffff;
	s31 =	sadd.s32 $0x400, s20;
	[tilespmem:s20+$0x20] =	vst v6  }
0x3d: {  	v61 =	vld.idx.msk [tilespmem:v0+s19+$0x0 ss:$0x1], $0xffff;
	[tilespmem:s31+$0x30] =	vst v56  }
0x3e: {  	v62 =	vld.idx.msk [tilespmem:v0+s19+$0x10 ss:$0x1], $0xffff;
	s18 =	sadd.s32 $0x1, s18;
	[tilespmem:s31+$0xFFFFFFC0] =	vst v57  }
0x3f: {  	v63 =	vld.idx.msk [tilespmem:v0+s19+$0x20 ss:$0x1], $0xffff;
	p1 =	sne.s32 s18, $0x8;
	[tilespmem:s31+$0xFFFFFFD0] =	vst v58  }
.Ltmp4:
0x40: {  	[tilespmem:s31+$0xFFFFFFE0] =	vst v59;
	(pc) =	sbr.rel @p1 .LBB1_4-.Ltmp4, $4  }
0x41: {  	[tilespmem:s31+$0xFFFFFFF0] =	vst v60  }
0x42: {  	[tilespmem:s31+$0x0] =	vst v61  }
0x43: {  	[tilespmem:s31+$0x10] =	vst v62  }
0x44: {  	s16 =	sadd.s32 $0x80, s16;
	s17 =	sadd.s32 $0x400, s17;
	[tilespmem:s31+$0x20] =	vst v63  }
.Ltmp5:
0x45: {  	(pc) =	sbr.rel @p0 .LBB1_3-.Ltmp5, $2  }
0x46: {  	_ =	sdelay $0x2  }
0x47: {  	s16 =	simm.s32 $0x2000;
	p1 =	por $0x0, $0x0  }
.Ltmp6:
0x48: {  	(pc) =	sbr.rel .LBB1_9-.Ltmp6, $4  }
0x49: {  	_ = 	snop  }
0x4a: {  	s12 =	sshll.u32 s12, $0xA  }
0x4b: {  	s12 =	sadd.s32 s4, s12  }
0x4c: {  	[hbm4b:s12+s8] =	stream.linear.scatter [tilespmem:s13], [sflag:$0x2], $0x4000, $0x38;
	[tilespmem:$0x10000] =	vst v63  }
.LBB1_10:
0x4d: {  	_ =	sfence.sel $0x180000  }
0x4e: {  	s2 =	simm.s32 $0x1;
	[bflag:$0x0] =	sbarrier.arrive $0xFFFF  }
0x4f: {  	s31 =	simm.s32 $0x2;
	[sflag:s2] =	ssyncpa.u1 $0x1  }
0x50: {  	[sflag:s31] =	ssyncpa.u1 $0x1  }
0x51: {  	p0 =	sne.s32 s0, $0x0;
	_ =	strace $0x90000047  }
0x52: {  	s0 =	sadd.s32 @!p0 $0x100000, s1;
	[bflag:$0x2] =	sbarrier.arrive $0xFFFF  }
0x53: {  	[sflag:s0] =	ssyncadd.tile.s32 @!p0 $0x1;
	_ =	shalt  }
.Lfunc_end1:
_tile_overlayer_lowered:
.L_overlay_start_2:
0x54: {  	(tag) =	ssettag $0x2  }
0x55: {  	s0 =	rddreg [dreg:$0x0];
	s2 =	stileid.u32  }
0x56: {  	s1 =	rddreg [dreg:$0x1];
	p0 =	sne.s32 s2, $0x0  }
0x57: {  	s3 =	rddreg [dreg:$0x2];
	[bflag:$0x3] =	sbarrier.arrive $0xFFFF;
	s2 =	simm.s32 @!p0 $0x1C01  }
0x58: {  	[timem:s3], [sflag:s2] =	dma.local @!p0 [hbm:s0], s1  }
0x59: {  	s0 =	simm.s32 @!p0 $0x1  }
0x5a: {  	_ =	swait.ge @!p0 [sflag:s0], s1  }
0x5b: {  	s1 =	ssub.s32 @!p0 $0x0, s1;
	[sflag:s0] =	ssyncset.done @!p0 $0x0  }
0x5c: {  	[sflag:s0] =	ssyncadd.s32 @!p0 s1  }
0x5d: {  	[bflag:$0x3] =	sbarrier.arrive $0xFFFF  }
0x5e: {  	_ =	shalt  }

</sc_bundles>
